<compile_context>
chip_gen: v7x
topology: tpu7x:2x2x1
jax: 0.10.2.dev20260603
libtpu: 0.0.44.dev20260713+nightly
codegen_flags: <defaults>
</compile_context>

<pallas_src>
import functools
from math import sqrt

import jax
import jax.numpy as jnp
from jax import lax
from jax.experimental import pallas as pl
from jax.experimental.pallas import tpu as pltpu
from jax.experimental.pallas import tpu_sc as plsc

D_MODEL = 64
SCALE = sqrt(D_MODEL)

NC = 2
NS = 16
NW = NC * NS
LANES = 16

CHUNK = 128
NBUF = 4


@functools.lru_cache(maxsize=None)
def _build(B, V):
    assert B % (NW * CHUNK * NBUF) == 0
    b_per_w = B // NW
    n_chunks = b_per_w // CHUNK
    n_outer = n_chunks // NBUF
    mesh = plsc.VectorSubcoreMesh(
        core_axis_name="c", subcore_axis_name="s", num_cores=NC, num_subcores=NS
    )

    @functools.partial(
        pl.kernel,
        out_type=jax.ShapeDtypeStruct((B, D_MODEL), jnp.float32),
        mesh=mesh,
        scratch_types=[
            pltpu.VMEM((n_chunks, CHUNK), jnp.int32),
            pltpu.VMEM((NBUF, CHUNK, D_MODEL), jnp.float32),
            pltpu.VMEM((NBUF, CHUNK, D_MODEL), jnp.float32),
            pltpu.SemaphoreType.DMA,
            pltpu.SemaphoreType.DMA,
        ],
        compiler_params=pltpu.CompilerParams(
            use_tc_tiling_on_sc=False,
            skip_device_barrier=True,
        ),
    )
    def emb_kernel(x_hbm, w_hbm, out_hbm, idx_v, in_v, out_v, gsem, osem):
        wid = lax.axis_index("s") * NC + lax.axis_index("c")
        base = wid * b_per_w
        pltpu.sync_copy(x_hbm.at[wid], idx_v)

        for b in range(NBUF):
            pltpu.async_copy(w_hbm.at[idx_v.at[b]], in_v.at[b], gsem)

        def outer(t, carry):
            for b in range(NBUF):
                g = t * NBUF + b
                pltpu.make_async_copy(
                    w_hbm.at[idx_v.at[b]], in_v.at[b], gsem
                ).wait()

                @pl.when(t > 0)
                def _wait_out():
                    pltpu.make_async_copy(
                        out_v.at[b], out_hbm.at[pl.ds(base, CHUNK)], osem
                    ).wait()

                @plsc.parallel_loop(0, CHUNK, step=1, unroll=8)
                def _scale(i):
                    for j in range(D_MODEL // LANES):
                        sl = pl.ds(j * LANES, LANES)
                        out_v[b, i, sl] = in_v[b, i, sl] * SCALE

                pltpu.async_copy(
                    out_v.at[b], out_hbm.at[pl.ds(base + g * CHUNK, CHUNK)], osem
                )

                @pl.when(g + NBUF < n_chunks)
                def _next_gather():
                    pltpu.async_copy(
                        w_hbm.at[idx_v.at[g + NBUF]], in_v.at[b], gsem
                    )

            return carry

        lax.fori_loop(0, n_outer, outer, 0)

        for b in range(NBUF):
            pltpu.make_async_copy(
                out_v.at[b], out_hbm.at[pl.ds(base, CHUNK)], osem
            ).wait()

    return emb_kernel


def kernel(x, W):
    batch, seq = x.shape
    B = batch * seq
    x_flat = x.reshape(NW, B // NW // CHUNK, CHUNK).astype(jnp.int32)
    out = _build(B, W.shape[0])(x_flat, W)
    return out.reshape(batch, seq, D_MODEL)

# --- scband reference (transcript-rebuilt; emitter-appended) ---
"""Pipeline reference for scband-input-embedding-81810537054504 (READ-ONLY COPY).

The authoritative reference and input builder live on the scoring server;
editing this copy changes nothing except your own understanding.
"""

import jax, jax.numpy as jnp
import numpy as np
from math import sqrt

D_MODEL = 64
VOCAB = 1000000
BATCH = 4096
SEQ = 200

def setup_inputs(seed: int = 0) -> dict:
    key = jax.random.key(seed)
    k1, k2 = jax.random.split(key)
    x = jax.random.randint(k1, (BATCH, SEQ), 0, VOCAB, dtype=jnp.int64 if jax.config.jax_enable_x64 else jnp.int32)
    # embedding table (learned parameter), matches torch.nn.Embedding(vocab, d_model) default init ~ N(0,1)
    W = jax.random.normal(k2, (VOCAB, D_MODEL), dtype=jnp.float32)
    return {"x": x, "W": W}

def reference(x, W):
    # embedding lookup scaled by sqrt(d_model)
    emb = jnp.take(W, x, axis=0)
    return emb * sqrt(D_MODEL)

if __name__ == "__main__":
    import jax
    _d = setup_inputs()
    print(jax.jit(kernel)(*tuple(_d.values())))

</pallas_src>

<mosaic_0001>
#map = affine_map<(d0, d1) -> (0, 0, 0)>
#map1 = affine_map<(d0, d1) -> (0, 0)>
module attributes {stable_mosaic.version = 14 : i64} {
  func.func @emb_kernel(%arg0: i32, %arg1: i32, %arg2: memref<32x200x128xi32, #tpu.memory_space<hbm>>, %arg3: memref<1000000x64xf32, #tpu.memory_space<hbm>>, %arg4: memref<819200x64xf32, #tpu.memory_space<hbm>>, %arg5: memref<200x128xi32, #tpu.memory_space<vmem>>, %arg6: memref<4x128x64xf32, #tpu.memory_space<vmem>>, %arg7: memref<4x128x64xf32, #tpu.memory_space<vmem>>, %arg8: memref<!tpu.dma_semaphore, #tpu.memory_space<semaphore_mem>>, %arg9: memref<!tpu.dma_semaphore, #tpu.memory_space<semaphore_mem>>) attributes {dimension_semantics = [#tpu.dimension_semantics<core_parallel>, #tpu.dimension_semantics<subcore_parallel>], iteration_bounds = array<i64: 2, 16>, scalar_prefetch = 0 : i64, scratch_operands = 5 : i64, tpu.core_type = #tpu.core_type<sc_vector_subcore>, window_params = [{transform_indices = #map}, {transform_indices = #map1}, {transform_indices = #map1}]} {
    %mul3A = arith.constant 2 : i32
    %mul3A_0 = arith.muli %arg1, %mul3A : i32
    %add3A = arith.addi %mul3A_0, %arg0 : i32
    %mul3A_1 = arith.constant 25600 : i32
    %mul3A_2 = arith.muli %add3A, %mul3A_1 : i32
    "tpu.region"() ({
      %run_scoped3A = tpu.sem_alloc : memref<!tpu.dma_semaphore, #tpu.memory_space<semaphore_mem>>
      %dma_start3A_106 = arith.constant 0 : i32
      %dma_start3A_107 = arith.constant 0 : i32
      %dma_start3A_108 = tpu.memref_slice %arg2[%add3A, %dma_start3A_106, %dma_start3A_107] : memref<32x200x128xi32, #tpu.memory_space<hbm>> -> memref<1x200x128xi32, #tpu.memory_space<hbm>>
      %dma_start3A_109 = tpu.memref_squeeze %dma_start3A_108 : memref<1x200x128xi32, #tpu.memory_space<hbm>> -> memref<200x128xi32, #tpu.memory_space<hbm>>
      %dma_start3A_110 = arith.constant 0 : i32
      %dma_start3A_111 = arith.constant 0 : i32
      %dma_start3A_112 = tpu.memref_slice %arg2[%add3A, %dma_start3A_110, %dma_start3A_111] : memref<32x200x128xi32, #tpu.memory_space<hbm>> -> memref<1x200x128xi32, #tpu.memory_space<hbm>>
      %dma_start3A_113 = tpu.memref_squeeze %dma_start3A_112 : memref<1x200x128xi32, #tpu.memory_space<hbm>> -> memref<200x128xi32, #tpu.memory_space<hbm>>
      tpu.enqueue_dma source(%dma_start3A_113 : memref<200x128xi32, #tpu.memory_space<hbm>>) target(%arg5 : memref<200x128xi32, #tpu.memory_space<vmem>>) target_semaphore(%run_scoped3A : memref<!tpu.dma_semaphore, #tpu.memory_space<semaphore_mem>>)
      %dma_wait3A_114 = arith.constant 0 : i32
      %dma_wait3A_115 = arith.constant 0 : i32
      %dma_wait3A_116 = tpu.memref_slice %arg2[%add3A, %dma_wait3A_114, %dma_wait3A_115] : memref<32x200x128xi32, #tpu.memory_space<hbm>> -> memref<1x200x128xi32, #tpu.memory_space<hbm>>
      %dma_wait3A_117 = tpu.memref_squeeze %dma_wait3A_116 : memref<1x200x128xi32, #tpu.memory_space<hbm>> -> memref<200x128xi32, #tpu.memory_space<hbm>>
      %dma_wait3A_118 = arith.constant 0 : i32
      %dma_wait3A_119 = arith.constant 0 : i32
      %dma_wait3A_120 = tpu.memref_slice %arg2[%add3A, %dma_wait3A_118, %dma_wait3A_119] : memref<32x200x128xi32, #tpu.memory_space<hbm>> -> memref<1x200x128xi32, #tpu.memory_space<hbm>>
      %dma_wait3A_121 = tpu.memref_squeeze %dma_wait3A_120 : memref<1x200x128xi32, #tpu.memory_space<hbm>> -> memref<200x128xi32, #tpu.memory_space<hbm>>
      tpu.wait_dma2 semaphore(%run_scoped3A : memref<!tpu.dma_semaphore, #tpu.memory_space<semaphore_mem>>) src(%dma_wait3A_121 : memref<200x128xi32, #tpu.memory_space<hbm>>) dst(%arg5 : memref<200x128xi32, #tpu.memory_space<vmem>>)
      tpu.yield
    }) : () -> ()
    %dma_start3A = arith.constant 0 : i32
    %dma_start3A_3 = arith.constant 0 : i32
    %dma_start3A_4 = arith.constant 0 : i32
    %dma_start3A_5 = arith.constant 0 : i32
    %dma_start3A_6 = tpu.memref_slice %arg6[%dma_start3A_3, %dma_start3A_4, %dma_start3A_5] : memref<4x128x64xf32, #tpu.memory_space<vmem>> -> memref<1x128x64xf32, #tpu.memory_space<vmem>>
    %dma_start3A_7 = tpu.memref_squeeze %dma_start3A_6 : memref<1x128x64xf32, #tpu.memory_space<vmem>> -> memref<128x64xf32, #tpu.memory_space<vmem>>
    %dma_start3A_8 = arith.constant 0 : i32
    %dma_start3A_9 = tpu.memref_slice %arg5[%dma_start3A, %dma_start3A_8] : memref<200x128xi32, #tpu.memory_space<vmem>> -> memref<1x128xi32, #tpu.memory_space<vmem>>
    %dma_start3A_10 = tpu.memref_squeeze %dma_start3A_9 : memref<1x128xi32, #tpu.memory_space<vmem>> -> memref<128xi32, #tpu.memory_space<vmem>>
    %dma_start3A_11 = arith.constant 0 : i32
    %dma_start3A_12 = arith.constant 0 : i32
    %dma_start3A_13 = tpu.memref_slice %arg3[%dma_start3A_11, %dma_start3A_12] : memref<1000000x64xf32, #tpu.memory_space<hbm>> -> memref<1000000x64xf32, #tpu.memory_space<hbm>>
    tpu.enqueue_indirect_dma source(%dma_start3A_13 : memref<1000000x64xf32, #tpu.memory_space<hbm>>) target(%dma_start3A_7 : memref<128x64xf32, #tpu.memory_space<vmem>>) offsets(%dma_start3A_10 : memref<128xi32, #tpu.memory_space<vmem>>) semaphore(%arg8 : memref<!tpu.dma_semaphore, #tpu.memory_space<semaphore_mem>>)
    %dma_start3A_14 = arith.constant 1 : i32
    %dma_start3A_15 = arith.constant 1 : i32
    %dma_start3A_16 = arith.constant 0 : i32
    %dma_start3A_17 = arith.constant 0 : i32
    %dma_start3A_18 = tpu.memref_slice %arg6[%dma_start3A_15, %dma_start3A_16, %dma_start3A_17] : memref<4x128x64xf32, #tpu.memory_space<vmem>> -> memref<1x128x64xf32, #tpu.memory_space<vmem>>
    %dma_start3A_19 = tpu.memref_squeeze %dma_start3A_18 : memref<1x128x64xf32, #tpu.memory_space<vmem>> -> memref<128x64xf32, #tpu.memory_space<vmem>>
    %dma_start3A_20 = arith.constant 0 : i32
    %dma_start3A_21 = tpu.memref_slice %arg5[%dma_start3A_14, %dma_start3A_20] : memref<200x128xi32, #tpu.memory_space<vmem>> -> memref<1x128xi32, #tpu.memory_space<vmem>>
    %dma_start3A_22 = tpu.memref_squeeze %dma_start3A_21 : memref<1x128xi32, #tpu.memory_space<vmem>> -> memref<128xi32, #tpu.memory_space<vmem>>
    %dma_start3A_23 = arith.constant 0 : i32
    %dma_start3A_24 = arith.constant 0 : i32
    %dma_start3A_25 = tpu.memref_slice %arg3[%dma_start3A_23, %dma_start3A_24] : memref<1000000x64xf32, #tpu.memory_space<hbm>> -> memref<1000000x64xf32, #tpu.memory_space<hbm>>
    tpu.enqueue_indirect_dma source(%dma_start3A_25 : memref<1000000x64xf32, #tpu.memory_space<hbm>>) target(%dma_start3A_19 : memref<128x64xf32, #tpu.memory_space<vmem>>) offsets(%dma_start3A_22 : memref<128xi32, #tpu.memory_space<vmem>>) semaphore(%arg8 : memref<!tpu.dma_semaphore, #tpu.memory_space<semaphore_mem>>)
    %dma_start3A_26 = arith.constant 2 : i32
    %dma_start3A_27 = arith.constant 2 : i32
    %dma_start3A_28 = arith.constant 0 : i32
    %dma_start3A_29 = arith.constant 0 : i32
    %dma_start3A_30 = tpu.memref_slice %arg6[%dma_start3A_27, %dma_start3A_28, %dma_start3A_29] : memref<4x128x64xf32, #tpu.memory_space<vmem>> -> memref<1x128x64xf32, #tpu.memory_space<vmem>>
    %dma_start3A_31 = tpu.memref_squeeze %dma_start3A_30 : memref<1x128x64xf32, #tpu.memory_space<vmem>> -> memref<128x64xf32, #tpu.memory_space<vmem>>
    %dma_start3A_32 = arith.constant 0 : i32
    %dma_start3A_33 = tpu.memref_slice %arg5[%dma_start3A_26, %dma_start3A_32] : memref<200x128xi32, #tpu.memory_space<vmem>> -> memref<1x128xi32, #tpu.memory_space<vmem>>
    %dma_start3A_34 = tpu.memref_squeeze %dma_start3A_33 : memref<1x128xi32, #tpu.memory_space<vmem>> -> memref<128xi32, #tpu.memory_space<vmem>>
    %dma_start3A_35 = arith.constant 0 : i32
    %dma_start3A_36 = arith.constant 0 : i32
    %dma_start3A_37 = tpu.memref_slice %arg3[%dma_start3A_35, %dma_start3A_36] : memref<1000000x64xf32, #tpu.memory_space<hbm>> -> memref<1000000x64xf32, #tpu.memory_space<hbm>>
    tpu.enqueue_indirect_dma source(%dma_start3A_37 : memref<1000000x64xf32, #tpu.memory_space<hbm>>) target(%dma_start3A_31 : memref<128x64xf32, #tpu.memory_space<vmem>>) offsets(%dma_start3A_34 : memref<128xi32, #tpu.memory_space<vmem>>) semaphore(%arg8 : memref<!tpu.dma_semaphore, #tpu.memory_space<semaphore_mem>>)
    %dma_start3A_38 = arith.constant 3 : i32
    %dma_start3A_39 = arith.constant 3 : i32
    %dma_start3A_40 = arith.constant 0 : i32
    %dma_start3A_41 = arith.constant 0 : i32
    %dma_start3A_42 = tpu.memref_slice %arg6[%dma_start3A_39, %dma_start3A_40, %dma_start3A_41] : memref<4x128x64xf32, #tpu.memory_space<vmem>> -> memref<1x128x64xf32, #tpu.memory_space<vmem>>
    %dma_start3A_43 = tpu.memref_squeeze %dma_start3A_42 : memref<1x128x64xf32, #tpu.memory_space<vmem>> -> memref<128x64xf32, #tpu.memory_space<vmem>>
    %dma_start3A_44 = arith.constant 0 : i32
    %dma_start3A_45 = tpu.memref_slice %arg5[%dma_start3A_38, %dma_start3A_44] : memref<200x128xi32, #tpu.memory_space<vmem>> -> memref<1x128xi32, #tpu.memory_space<vmem>>
    %dma_start3A_46 = tpu.memref_squeeze %dma_start3A_45 : memref<1x128xi32, #tpu.memory_space<vmem>> -> memref<128xi32, #tpu.memory_space<vmem>>
    %dma_start3A_47 = arith.constant 0 : i32
    %dma_start3A_48 = arith.constant 0 : i32
    %dma_start3A_49 = tpu.memref_slice %arg3[%dma_start3A_47, %dma_start3A_48] : memref<1000000x64xf32, #tpu.memory_space<hbm>> -> memref<1000000x64xf32, #tpu.memory_space<hbm>>
    tpu.enqueue_indirect_dma source(%dma_start3A_49 : memref<1000000x64xf32, #tpu.memory_space<hbm>>) target(%dma_start3A_43 : memref<128x64xf32, #tpu.memory_space<vmem>>) offsets(%dma_start3A_46 : memref<128xi32, #tpu.memory_space<vmem>>) semaphore(%arg8 : memref<!tpu.dma_semaphore, #tpu.memory_space<semaphore_mem>>)
    %scan3A = arith.constant 0 : i32
    %scan3A_50 = arith.constant 0 : i32
    %scan3A_51 = arith.constant 50 : i32
    %scan3A_52 = arith.addi %scan3A_50, %scan3A_51 : i32
    %scan3A_53 = arith.constant 1 : i32
    scf.for %scan3A_106 = %scan3A_50 to %scan3A_52 step %scan3A_53  : i32 {
      %mul3A_107 = arith.constant 4 : i32
      %mul3A_108 = arith.muli %scan3A_106, %mul3A_107 : i32
      %add3A_109 = arith.constant 0 : i32
      %add3A_110 = arith.addi %mul3A_108, %add3A_109 : i32
      %dma_wait3A_111 = arith.constant 0 : i32
      %dma_wait3A_112 = arith.constant 0 : i32
      %dma_wait3A_113 = arith.constant 0 : i32
      %dma_wait3A_114 = arith.constant 0 : i32
      %dma_wait3A_115 = tpu.memref_slice %arg6[%dma_wait3A_112, %dma_wait3A_113, %dma_wait3A_114] : memref<4x128x64xf32, #tpu.memory_space<vmem>> -> memref<1x128x64xf32, #tpu.memory_space<vmem>>
      %dma_wait3A_116 = tpu.memref_squeeze %dma_wait3A_115 : memref<1x128x64xf32, #tpu.memory_space<vmem>> -> memref<128x64xf32, #tpu.memory_space<vmem>>
      %dma_wait3A_117 = arith.constant 0 : i32
      %dma_wait3A_118 = tpu.memref_slice %arg5[%dma_wait3A_111, %dma_wait3A_117] : memref<200x128xi32, #tpu.memory_space<vmem>> -> memref<1x128xi32, #tpu.memory_space<vmem>>
      %dma_wait3A_119 = tpu.memref_squeeze %dma_wait3A_118 : memref<1x128xi32, #tpu.memory_space<vmem>> -> memref<128xi32, #tpu.memory_space<vmem>>
      %dma_wait3A_120 = arith.constant 0 : i32
      %dma_wait3A_121 = arith.constant 0 : i32
      %dma_wait3A_122 = tpu.memref_slice %arg3[%dma_wait3A_120, %dma_wait3A_121] : memref<1000000x64xf32, #tpu.memory_space<hbm>> -> memref<1000000x64xf32, #tpu.memory_space<hbm>>
      tpu.wait_indirect_dma semaphore(%arg8 : memref<!tpu.dma_semaphore, #tpu.memory_space<semaphore_mem>>) src(%dma_wait3A_122 : memref<1000000x64xf32, #tpu.memory_space<hbm>>) dst(%dma_wait3A_116 : memref<128x64xf32, #tpu.memory_space<vmem>>)
      %gt3A = arith.constant 0 : i32
      %gt3A_123 = arith.cmpi sgt, %scan3A_106, %gt3A : i32
      %convert_element_type3A = arith.extui %gt3A_123 : i1 to i32
      %cond3A = arith.constant 0 : i32
      %cond3A_124 = arith.cmpi ne, %convert_element_type3A, %cond3A : i32
      scf.if %cond3A_124 {
        %dma_wait3A_290 = arith.constant 0 : i32
        %dma_wait3A_291 = arith.constant 0 : i32
        %dma_wait3A_292 = arith.constant 0 : i32
        %dma_wait3A_293 = tpu.memref_slice %arg7[%dma_wait3A_290, %dma_wait3A_291, %dma_wait3A_292] : memref<4x128x64xf32, #tpu.memory_space<vmem>> -> memref<1x128x64xf32, #tpu.memory_space<vmem>>
        %dma_wait3A_294 = tpu.memref_squeeze %dma_wait3A_293 : memref<1x128x64xf32, #tpu.memory_space<vmem>> -> memref<128x64xf32, #tpu.memory_space<vmem>>
        %dma_wait3A_295 = arith.constant 0 : i32
        %dma_wait3A_296 = tpu.memref_slice %arg4[%mul3A_2, %dma_wait3A_295] : memref<819200x64xf32, #tpu.memory_space<hbm>> -> memref<128x64xf32, #tpu.memory_space<hbm>>
        %dma_wait3A_297 = arith.constant 0 : i32
        %dma_wait3A_298 = tpu.memref_slice %arg4[%mul3A_2, %dma_wait3A_297] : memref<819200x64xf32, #tpu.memory_space<hbm>> -> memref<128x64xf32, #tpu.memory_space<hbm>>
        %dma_wait3A_299 = arith.constant 0 : i32
        %dma_wait3A_300 = arith.constant 0 : i32
        %dma_wait3A_301 = tpu.memref_slice %arg7[%dma_wait3A_290, %dma_wait3A_299, %dma_wait3A_300] : memref<4x128x64xf32, #tpu.memory_space<vmem>> -> memref<1x128x64xf32, #tpu.memory_space<vmem>>
        %dma_wait3A_302 = tpu.memref_squeeze %dma_wait3A_301 : memref<1x128x64xf32, #tpu.memory_space<vmem>> -> memref<128x64xf32, #tpu.memory_space<vmem>>
        tpu.wait_dma2 semaphore(%arg9 : memref<!tpu.dma_semaphore, #tpu.memory_space<semaphore_mem>>) src(%dma_wait3A_302 : memref<128x64xf32, #tpu.memory_space<vmem>>) dst(%dma_wait3A_298 : memref<128x64xf32, #tpu.memory_space<hbm>>)
      } else {
      }
      %parallel_loop3A = arith.constant 0 : i32
      %parallel_loop3A_125 = arith.constant 128 : i32
      %parallel_loop3A_126 = arith.constant 1 : i32
      scf.for %parallel_loop3A_290 = %parallel_loop3A to %parallel_loop3A_125 step %parallel_loop3A_126  : i32 {
        %parallel_loop3A_291 = arith.constant 0 : i32
        %parallel_loop3A_292 = arith.index_cast %parallel_loop3A_291 : i32 to index
        %parallel_loop3A_293 = arith.index_cast %parallel_loop3A_290 : i32 to index
        %parallel_loop3A_294 = arith.constant 0 : index
        %parallel_loop3A_295 = tpu.vector_load %arg6[%parallel_loop3A_292, %parallel_loop3A_293, %parallel_loop3A_294] {strides = array<i32>} : memref<4x128x64xf32, #tpu.memory_space<vmem>>, vector<1x1x16xf32>,
        %parallel_loop3A_296 = vector.shape_cast %parallel_loop3A_295 : vector<1x1x16xf32> to vector<16xf32>
        %parallel_loop3A_297 = arith.constant 8.000000e+00 : f32
        %parallel_loop3A_298 = vector.broadcast %parallel_loop3A_297 : f32 to vector<16xf32>
        %parallel_loop3A_299 = arith.mulf %parallel_loop3A_296, %parallel_loop3A_298 : vector<16xf32>
        %parallel_loop3A_300 = arith.constant 0 : i32
        %parallel_loop3A_301 = arith.index_cast %parallel_loop3A_300 : i32 to index
        %parallel_loop3A_302 = arith.index_cast %parallel_loop3A_290 : i32 to index
        %parallel_loop3A_303 = arith.constant 0 : index
        %parallel_loop3A_304 = tpu.vector_load %arg7[%parallel_loop3A_301, %parallel_loop3A_302, %parallel_loop3A_303] {strides = array<i32>} : memref<4x128x64xf32, #tpu.memory_space<vmem>>, vector<1x1x16xf32>,
        %parallel_loop3A_305 = vector.shape_cast %parallel_loop3A_304 : vector<1x1x16xf32> to vector<16xf32>
        %parallel_loop3A_306 = vector.shape_cast %parallel_loop3A_299 : vector<16xf32> to vector<1x1x16xf32>
        tpu.vector_store %arg7[%parallel_loop3A_301, %parallel_loop3A_302, %parallel_loop3A_303], %parallel_loop3A_306 {strides = array<i32>} : memref<4x128x64xf32, #tpu.memory_space<vmem>>, vector<1x1x16xf32>,
        %parallel_loop3A_307 = arith.constant 0 : i32
        %parallel_loop3A_308 = arith.index_cast %parallel_loop3A_307 : i32 to index
        %parallel_loop3A_309 = arith.index_cast %parallel_loop3A_290 : i32 to index
        %parallel_loop3A_310 = arith.constant 16 : index
        %parallel_loop3A_311 = tpu.vector_load %arg6[%parallel_loop3A_308, %parallel_loop3A_309, %parallel_loop3A_310] {strides = array<i32>} : memref<4x128x64xf32, #tpu.memory_space<vmem>>, vector<1x1x16xf32>,
        %parallel_loop3A_312 = vector.shape_cast %parallel_loop3A_311 : vector<1x1x16xf32> to vector<16xf32>
        %parallel_loop3A_313 = arith.constant 8.000000e+00 : f32
        %parallel_loop3A_314 = vector.broadcast %parallel_loop3A_313 : f32 to vector<16xf32>
        %parallel_loop3A_315 = arith.mulf %parallel_loop3A_312, %parallel_loop3A_314 : vector<16xf32>
        %parallel_loop3A_316 = arith.constant 0 : i32
        %parallel_loop3A_317 = arith.index_cast %parallel_loop3A_316 : i32 to index
        %parallel_loop3A_318 = arith.index_cast %parallel_loop3A_290 : i32 to index
        %parallel_loop3A_319 = arith.constant 16 : index
        %parallel_loop3A_320 = tpu.vector_load %arg7[%parallel_loop3A_317, %parallel_loop3A_318, %parallel_loop3A_319] {strides = array<i32>} : memref<4x128x64xf32, #tpu.memory_space<vmem>>, vector<1x1x16xf32>,
        %parallel_loop3A_321 = vector.shape_cast %parallel_loop3A_320 : vector<1x1x16xf32> to vector<16xf32>
        %parallel_loop3A_322 = vector.shape_cast %parallel_loop3A_315 : vector<16xf32> to vector<1x1x16xf32>
        tpu.vector_store %arg7[%parallel_loop3A_317, %parallel_loop3A_318, %parallel_loop3A_319], %parallel_loop3A_322 {strides = array<i32>} : memref<4x128x64xf32, #tpu.memory_space<vmem>>, vector<1x1x16xf32>,
        %parallel_loop3A_323 = arith.constant 0 : i32
        %parallel_loop3A_324 = arith.index_cast %parallel_loop3A_323 : i32 to index
        %parallel_loop3A_325 = arith.index_cast %parallel_loop3A_290 : i32 to index
        %parallel_loop3A_326 = arith.constant 32 : index
        %parallel_loop3A_327 = tpu.vector_load %arg6[%parallel_loop3A_324, %parallel_loop3A_325, %parallel_loop3A_326] {strides = array<i32>} : memref<4x128x64xf32, #tpu.memory_space<vmem>>, vector<1x1x16xf32>,
        %parallel_loop3A_328 = vector.shape_cast %parallel_loop3A_327 : vector<1x1x16xf32> to vector<16xf32>
        %parallel_loop3A_329 = arith.constant 8.000000e+00 : f32
        %parallel_loop3A_330 = vector.broadcast %parallel_loop3A_329 : f32 to vector<16xf32>
        %parallel_loop3A_331 = arith.mulf %parallel_loop3A_328, %parallel_loop3A_330 : vector<16xf32>
        %parallel_loop3A_332 = arith.constant 0 : i32
        %parallel_loop3A_333 = arith.index_cast %parallel_loop3A_332 : i32 to index
        %parallel_loop3A_334 = arith.index_cast %parallel_loop3A_290 : i32 to index
        %parallel_loop3A_335 = arith.constant 32 : index
        %parallel_loop3A_336 = tpu.vector_load %arg7[%parallel_loop3A_333, %parallel_loop3A_334, %parallel_loop3A_335] {strides = array<i32>} : memref<4x128x64xf32, #tpu.memory_space<vmem>>, vector<1x1x16xf32>,
        %parallel_loop3A_337 = vector.shape_cast %parallel_loop3A_336 : vector<1x1x16xf32> to vector<16xf32>
        %parallel_loop3A_338 = vector.shape_cast %parallel_loop3A_331 : vector<16xf32> to vector<1x1x16xf32>
        tpu.vector_store %arg7[%parallel_loop3A_333, %parallel_loop3A_334, %parallel_loop3A_335], %parallel_loop3A_338 {strides = array<i32>} : memref<4x128x64xf32, #tpu.memory_space<vmem>>, vector<1x1x16xf32>,
        %parallel_loop3A_339 = arith.constant 0 : i32
        %parallel_loop3A_340 = arith.index_cast %parallel_loop3A_339 : i32 to index
        %parallel_loop3A_341 = arith.index_cast %parallel_loop3A_290 : i32 to index
        %parallel_loop3A_342 = arith.constant 48 : index
        %parallel_loop3A_343 = tpu.vector_load %arg6[%parallel_loop3A_340, %parallel_loop3A_341, %parallel_loop3A_342] {strides = array<i32>} : memref<4x128x64xf32, #tpu.memory_space<vmem>>, vector<1x1x16xf32>,
        %parallel_loop3A_344 = vector.shape_cast %parallel_loop3A_343 : vector<1x1x16xf32> to vector<16xf32>
        %parallel_loop3A_345 = arith.constant 8.000000e+00 : f32
        %parallel_loop3A_346 = vector.broadcast %parallel_loop3A_345 : f32 to vector<16xf32>
        %parallel_loop3A_347 = arith.mulf %parallel_loop3A_344, %parallel_loop3A_346 : vector<16xf32>
        %parallel_loop3A_348 = arith.constant 0 : i32
        %parallel_loop3A_349 = arith.index_cast %parallel_loop3A_348 : i32 to index
        %parallel_loop3A_350 = arith.index_cast %parallel_loop3A_290 : i32 to index
        %parallel_loop3A_351 = arith.constant 48 : index
        %parallel_loop3A_352 = tpu.vector_load %arg7[%parallel_loop3A_349, %parallel_loop3A_350, %parallel_loop3A_351] {strides = array<i32>} : memref<4x128x64xf32, #tpu.memory_space<vmem>>, vector<1x1x16xf32>,
        %parallel_loop3A_353 = vector.shape_cast %parallel_loop3A_352 : vector<1x1x16xf32> to vector<16xf32>
        %parallel_loop3A_354 = vector.shape_cast %parallel_loop3A_347 : vector<16xf32> to vector<1x1x16xf32>
        tpu.vector_store %arg7[%parallel_loop3A_349, %parallel_loop3A_350, %parallel_loop3A_351], %parallel_loop3A_354 {strides = array<i32>} : memref<4x128x64xf32, #tpu.memory_space<vmem>>, vector<1x1x16xf32>,
      } {sc.loop_unroll_factor = 8 : i64, sc.parallel_access}
      %mul3A_127 = arith.constant 128 : i32
      %mul3A_128 = arith.muli %add3A_110, %mul3A_127 : i32
      %add3A_129 = arith.addi %mul3A_2, %mul3A_128 : i32
      %dma_start3A_130 = arith.constant 0 : i32
      %dma_start3A_131 = arith.constant 0 : i32
      %dma_start3A_132 = arith.constant 0 : i32
      %dma_start3A_133 = tpu.memref_slice %arg7[%dma_start3A_130, %dma_start3A_131, %dma_start3A_132] : memref<4x128x64xf32, #tpu.memory_space<vmem>> -> memref<1x128x64xf32, #tpu.memory_space<vmem>>
      %dma_start3A_134 = tpu.memref_squeeze %dma_start3A_133 : memref<1x128x64xf32, #tpu.memory_space<vmem>> -> memref<128x64xf32, #tpu.memory_space<vmem>>
      %dma_start3A_135 = arith.constant 0 : i32
      %dma_start3A_136 = tpu.memref_slice %arg4[%add3A_129, %dma_start3A_135] : memref<819200x64xf32, #tpu.memory_space<hbm>> -> memref<128x64xf32, #tpu.memory_space<hbm>>
      %dma_start3A_137 = arith.constant 0 : i32
      %dma_start3A_138 = tpu.memref_slice %arg4[%add3A_129, %dma_start3A_137] : memref<819200x64xf32, #tpu.memory_space<hbm>> -> memref<128x64xf32, #tpu.memory_space<hbm>>
      %dma_start3A_139 = arith.constant 0 : i32
      %dma_start3A_140 = arith.constant 0 : i32
      %dma_start3A_141 = tpu.memref_slice %arg7[%dma_start3A_130, %dma_start3A_139, %dma_start3A_140] : memref<4x128x64xf32, #tpu.memory_space<vmem>> -> memref<1x128x64xf32, #tpu.memory_space<vmem>>
      %dma_start3A_142 = tpu.memref_squeeze %dma_start3A_141 : memref<1x128x64xf32, #tpu.memory_space<vmem>> -> memref<128x64xf32, #tpu.memory_space<vmem>>
      tpu.enqueue_dma source(%dma_start3A_142 : memref<128x64xf32, #tpu.memory_space<vmem>>) target(%dma_start3A_138 : memref<128x64xf32, #tpu.memory_space<hbm>>) target_semaphore(%arg9 : memref<!tpu.dma_semaphore, #tpu.memory_space<semaphore_mem>>)
      %add3A_143 = arith.constant 4 : i32
      %add3A_144 = arith.addi %add3A_110, %add3A_143 : i32
      %lt3A = arith.constant 200 : i32
      %lt3A_145 = arith.cmpi slt, %add3A_144, %lt3A : i32
      %convert_element_type3A_146 = arith.extui %lt3A_145 : i1 to i32
      %cond3A_147 = arith.constant 0 : i32
      %cond3A_148 = arith.cmpi ne, %convert_element_type3A_146, %cond3A_147 : i32
      scf.if %cond3A_148 {
        %add3A_290 = arith.constant 4 : i32
        %add3A_291 = arith.addi %add3A_110, %add3A_290 : i32
        %dma_start3A_292 = arith.constant 0 : i32
        %dma_start3A_293 = arith.constant 0 : i32
        %dma_start3A_294 = arith.constant 0 : i32
        %dma_start3A_295 = tpu.memref_slice %arg6[%dma_start3A_292, %dma_start3A_293, %dma_start3A_294] : memref<4x128x64xf32, #tpu.memory_space<vmem>> -> memref<1x128x64xf32, #tpu.memory_space<vmem>>
        %dma_start3A_296 = tpu.memref_squeeze %dma_start3A_295 : memref<1x128x64xf32, #tpu.memory_space<vmem>> -> memref<128x64xf32, #tpu.memory_space<vmem>>
        %dma_start3A_297 = arith.constant 0 : i32
        %dma_start3A_298 = tpu.memref_slice %arg5[%add3A_291, %dma_start3A_297] : memref<200x128xi32, #tpu.memory_space<vmem>> -> memref<1x128xi32, #tpu.memory_space<vmem>>
        %dma_start3A_299 = tpu.memref_squeeze %dma_start3A_298 : memref<1x128xi32, #tpu.memory_space<vmem>> -> memref<128xi32, #tpu.memory_space<vmem>>
        %dma_start3A_300 = arith.constant 0 : i32
        %dma_start3A_301 = arith.constant 0 : i32
        %dma_start3A_302 = tpu.memref_slice %arg3[%dma_start3A_300, %dma_start3A_301] : memref<1000000x64xf32, #tpu.memory_space<hbm>> -> memref<1000000x64xf32, #tpu.memory_space<hbm>>
        tpu.enqueue_indirect_dma source(%dma_start3A_302 : memref<1000000x64xf32, #tpu.memory_space<hbm>>) target(%dma_start3A_296 : memref<128x64xf32, #tpu.memory_space<vmem>>) offsets(%dma_start3A_299 : memref<128xi32, #tpu.memory_space<vmem>>) semaphore(%arg8 : memref<!tpu.dma_semaphore, #tpu.memory_space<semaphore_mem>>)
      } else {
      }
      %mul3A_149 = arith.constant 4 : i32
      %mul3A_150 = arith.muli %scan3A_106, %mul3A_149 : i32
      %add3A_151 = arith.constant 1 : i32
      %add3A_152 = arith.addi %mul3A_150, %add3A_151 : i32
      %dma_wait3A_153 = arith.constant 1 : i32
      %dma_wait3A_154 = arith.constant 1 : i32
      %dma_wait3A_155 = arith.constant 0 : i32
      %dma_wait3A_156 = arith.constant 0 : i32
      %dma_wait3A_157 = tpu.memref_slice %arg6[%dma_wait3A_154, %dma_wait3A_155, %dma_wait3A_156] : memref<4x128x64xf32, #tpu.memory_space<vmem>> -> memref<1x128x64xf32, #tpu.memory_space<vmem>>
      %dma_wait3A_158 = tpu.memref_squeeze %dma_wait3A_157 : memref<1x128x64xf32, #tpu.memory_space<vmem>> -> memref<128x64xf32, #tpu.memory_space<vmem>>
      %dma_wait3A_159 = arith.constant 0 : i32
      %dma_wait3A_160 = tpu.memref_slice %arg5[%dma_wait3A_153, %dma_wait3A_159] : memref<200x128xi32, #tpu.memory_space<vmem>> -> memref<1x128xi32, #tpu.memory_space<vmem>>
      %dma_wait3A_161 = tpu.memref_squeeze %dma_wait3A_160 : memref<1x128xi32, #tpu.memory_space<vmem>> -> memref<128xi32, #tpu.memory_space<vmem>>
      %dma_wait3A_162 = arith.constant 0 : i32
      %dma_wait3A_163 = arith.constant 0 : i32
      %dma_wait3A_164 = tpu.memref_slice %arg3[%dma_wait3A_162, %dma_wait3A_163] : memref<1000000x64xf32, #tpu.memory_space<hbm>> -> memref<1000000x64xf32, #tpu.memory_space<hbm>>
      tpu.wait_indirect_dma semaphore(%arg8 : memref<!tpu.dma_semaphore, #tpu.memory_space<semaphore_mem>>) src(%dma_wait3A_164 : memref<1000000x64xf32, #tpu.memory_space<hbm>>) dst(%dma_wait3A_158 : memref<128x64xf32, #tpu.memory_space<vmem>>)
      %gt3A_165 = arith.constant 0 : i32
      %gt3A_166 = arith.cmpi sgt, %scan3A_106, %gt3A_165 : i32
      %convert_element_type3A_167 = arith.extui %gt3A_166 : i1 to i32
      %cond3A_168 = arith.constant 0 : i32
      %cond3A_169 = arith.cmpi ne, %convert_element_type3A_167, %cond3A_168 : i32
      scf.if %cond3A_169 {
        %dma_wait3A_290 = arith.constant 1 : i32
        %dma_wait3A_291 = arith.constant 0 : i32
        %dma_wait3A_292 = arith.constant 0 : i32
        %dma_wait3A_293 = tpu.memref_slice %arg7[%dma_wait3A_290, %dma_wait3A_291, %dma_wait3A_292] : memref<4x128x64xf32, #tpu.memory_space<vmem>> -> memref<1x128x64xf32, #tpu.memory_space<vmem>>
        %dma_wait3A_294 = tpu.memref_squeeze %dma_wait3A_293 : memref<1x128x64xf32, #tpu.memory_space<vmem>> -> memref<128x64xf32, #tpu.memory_space<vmem>>
        %dma_wait3A_295 = arith.constant 0 : i32
        %dma_wait3A_296 = tpu.memref_slice %arg4[%mul3A_2, %dma_wait3A_295] : memref<819200x64xf32, #tpu.memory_space<hbm>> -> memref<128x64xf32, #tpu.memory_space<hbm>>
        %dma_wait3A_297 = arith.constant 0 : i32
        %dma_wait3A_298 = tpu.memref_slice %arg4[%mul3A_2, %dma_wait3A_297] : memref<819200x64xf32, #tpu.memory_space<hbm>> -> memref<128x64xf32, #tpu.memory_space<hbm>>
        %dma_wait3A_299 = arith.constant 0 : i32
        %dma_wait3A_300 = arith.constant 0 : i32
        %dma_wait3A_301 = tpu.memref_slice %arg7[%dma_wait3A_290, %dma_wait3A_299, %dma_wait3A_300] : memref<4x128x64xf32, #tpu.memory_space<vmem>> -> memref<1x128x64xf32, #tpu.memory_space<vmem>>
        %dma_wait3A_302 = tpu.memref_squeeze %dma_wait3A_301 : memref<1x128x64xf32, #tpu.memory_space<vmem>> -> memref<128x64xf32, #tpu.memory_space<vmem>>
        tpu.wait_dma2 semaphore(%arg9 : memref<!tpu.dma_semaphore, #tpu.memory_space<semaphore_mem>>) src(%dma_wait3A_302 : memref<128x64xf32, #tpu.memory_space<vmem>>) dst(%dma_wait3A_298 : memref<128x64xf32, #tpu.memory_space<hbm>>)
      } else {
      }
      %parallel_loop3A_170 = arith.constant 0 : i32
      %parallel_loop3A_171 = arith.constant 128 : i32
      %parallel_loop3A_172 = arith.constant 1 : i32
      scf.for %parallel_loop3A_290 = %parallel_loop3A_170 to %parallel_loop3A_171 step %parallel_loop3A_172  : i32 {
        %parallel_loop3A_291 = arith.constant 1 : i32
        %parallel_loop3A_292 = arith.index_cast %parallel_loop3A_291 : i32 to index
        %parallel_loop3A_293 = arith.index_cast %parallel_loop3A_290 : i32 to index
        %parallel_loop3A_294 = arith.constant 0 : index
        %parallel_loop3A_295 = tpu.vector_load %arg6[%parallel_loop3A_292, %parallel_loop3A_293, %parallel_loop3A_294] {strides = array<i32>} : memref<4x128x64xf32, #tpu.memory_space<vmem>>, vector<1x1x16xf32>,
        %parallel_loop3A_296 = vector.shape_cast %parallel_loop3A_295 : vector<1x1x16xf32> to vector<16xf32>
        %parallel_loop3A_297 = arith.constant 8.000000e+00 : f32
        %parallel_loop3A_298 = vector.broadcast %parallel_loop3A_297 : f32 to vector<16xf32>
        %parallel_loop3A_299 = arith.mulf %parallel_loop3A_296, %parallel_loop3A_298 : vector<16xf32>
        %parallel_loop3A_300 = arith.constant 1 : i32
        %parallel_loop3A_301 = arith.index_cast %parallel_loop3A_300 : i32 to index
        %parallel_loop3A_302 = arith.index_cast %parallel_loop3A_290 : i32 to index
        %parallel_loop3A_303 = arith.constant 0 : index
        %parallel_loop3A_304 = tpu.vector_load %arg7[%parallel_loop3A_301, %parallel_loop3A_302, %parallel_loop3A_303] {strides = array<i32>} : memref<4x128x64xf32, #tpu.memory_space<vmem>>, vector<1x1x16xf32>,
        %parallel_loop3A_305 = vector.shape_cast %parallel_loop3A_304 : vector<1x1x16xf32> to vector<16xf32>
        %parallel_loop3A_306 = vector.shape_cast %parallel_loop3A_299 : vector<16xf32> to vector<1x1x16xf32>
        tpu.vector_store %arg7[%parallel_loop3A_301, %parallel_loop3A_302, %parallel_loop3A_303], %parallel_loop3A_306 {strides = array<i32>} : memref<4x128x64xf32, #tpu.memory_space<vmem>>, vector<1x1x16xf32>,
        %parallel_loop3A_307 = arith.constant 1 : i32
        %parallel_loop3A_308 = arith.index_cast %parallel_loop3A_307 : i32 to index
        %parallel_loop3A_309 = arith.index_cast %parallel_loop3A_290 : i32 to index
        %parallel_loop3A_310 = arith.constant 16 : index
        %parallel_loop3A_311 = tpu.vector_load %arg6[%parallel_loop3A_308, %parallel_loop3A_309, %parallel_loop3A_310] {strides = array<i32>} : memref<4x128x64xf32, #tpu.memory_space<vmem>>, vector<1x1x16xf32>,
        %parallel_loop3A_312 = vector.shape_cast %parallel_loop3A_311 : vector<1x1x16xf32> to vector<16xf32>
        %parallel_loop3A_313 = arith.constant 8.000000e+00 : f32
        %parallel_loop3A_314 = vector.broadcast %parallel_loop3A_313 : f32 to vector<16xf32>
        %parallel_loop3A_315 = arith.mulf %parallel_loop3A_312, %parallel_loop3A_314 : vector<16xf32>
        %parallel_loop3A_316 = arith.constant 1 : i32
        %parallel_loop3A_317 = arith.index_cast %parallel_loop3A_316 : i32 to index
        %parallel_loop3A_318 = arith.index_cast %parallel_loop3A_290 : i32 to index
        %parallel_loop3A_319 = arith.constant 16 : index
        %parallel_loop3A_320 = tpu.vector_load %arg7[%parallel_loop3A_317, %parallel_loop3A_318, %parallel_loop3A_319] {strides = array<i32>} : memref<4x128x64xf32, #tpu.memory_space<vmem>>, vector<1x1x16xf32>,
        %parallel_loop3A_321 = vector.shape_cast %parallel_loop3A_320 : vector<1x1x16xf32> to vector<16xf32>
        %parallel_loop3A_322 = vector.shape_cast %parallel_loop3A_315 : vector<16xf32> to vector<1x1x16xf32>
        tpu.vector_store %arg7[%parallel_loop3A_317, %parallel_loop3A_318, %parallel_loop3A_319], %parallel_loop3A_322 {strides = array<i32>} : memref<4x128x64xf32, #tpu.memory_space<vmem>>, vector<1x1x16xf32>,
        %parallel_loop3A_323 = arith.constant 1 : i32
        %parallel_loop3A_324 = arith.index_cast %parallel_loop3A_323 : i32 to index
        %parallel_loop3A_325 = arith.index_cast %parallel_loop3A_290 : i32 to index
        %parallel_loop3A_326 = arith.constant 32 : index
        %parallel_loop3A_327 = tpu.vector_load %arg6[%parallel_loop3A_324, %parallel_loop3A_325, %parallel_loop3A_326] {strides = array<i32>} : memref<4x128x64xf32, #tpu.memory_space<vmem>>, vector<1x1x16xf32>,
        %parallel_loop3A_328 = vector.shape_cast %parallel_loop3A_327 : vector<1x1x16xf32> to vector<16xf32>
        %parallel_loop3A_329 = arith.constant 8.000000e+00 : f32
        %parallel_loop3A_330 = vector.broadcast %parallel_loop3A_329 : f32 to vector<16xf32>
        %parallel_loop3A_331 = arith.mulf %parallel_loop3A_328, %parallel_loop3A_330 : vector<16xf32>
        %parallel_loop3A_332 = arith.constant 1 : i32
        %parallel_loop3A_333 = arith.index_cast %parallel_loop3A_332 : i32 to index
        %parallel_loop3A_334 = arith.index_cast %parallel_loop3A_290 : i32 to index
        %parallel_loop3A_335 = arith.constant 32 : index
        %parallel_loop3A_336 = tpu.vector_load %arg7[%parallel_loop3A_333, %parallel_loop3A_334, %parallel_loop3A_335] {strides = array<i32>} : memref<4x128x64xf32, #tpu.memory_space<vmem>>, vector<1x1x16xf32>,
        %parallel_loop3A_337 = vector.shape_cast %parallel_loop3A_336 : vector<1x1x16xf32> to vector<16xf32>
        %parallel_loop3A_338 = vector.shape_cast %parallel_loop3A_331 : vector<16xf32> to vector<1x1x16xf32>
        tpu.vector_store %arg7[%parallel_loop3A_333, %parallel_loop3A_334, %parallel_loop3A_335], %parallel_loop3A_338 {strides = array<i32>} : memref<4x128x64xf32, #tpu.memory_space<vmem>>, vector<1x1x16xf32>,
        %parallel_loop3A_339 = arith.constant 1 : i32
        %parallel_loop3A_340 = arith.index_cast %parallel_loop3A_339 : i32 to index
        %parallel_loop3A_341 = arith.index_cast %parallel_loop3A_290 : i32 to index
        %parallel_loop3A_342 = arith.constant 48 : index
        %parallel_loop3A_343 = tpu.vector_load %arg6[%parallel_loop3A_340, %parallel_loop3A_341, %parallel_loop3A_342] {strides = array<i32>} : memref<4x128x64xf32, #tpu.memory_space<vmem>>, vector<1x1x16xf32>,
        %parallel_loop3A_344 = vector.shape_cast %parallel_loop3A_343 : vector<1x1x16xf32> to vector<16xf32>
        %parallel_loop3A_345 = arith.constant 8.000000e+00 : f32
        %parallel_loop3A_346 = vector.broadcast %parallel_loop3A_345 : f32 to vector<16xf32>
        %parallel_loop3A_347 = arith.mulf %parallel_loop3A_344, %parallel_loop3A_346 : vector<16xf32>
        %parallel_loop3A_348 = arith.constant 1 : i32
        %parallel_loop3A_349 = arith.index_cast %parallel_loop3A_348 : i32 to index
        %parallel_loop3A_350 = arith.index_cast %parallel_loop3A_290 : i32 to index
        %parallel_loop3A_351 = arith.constant 48 : index
        %parallel_loop3A_352 = tpu.vector_load %arg7[%parallel_loop3A_349, %parallel_loop3A_350, %parallel_loop3A_351] {strides = array<i32>} : memref<4x128x64xf32, #tpu.memory_space<vmem>>, vector<1x1x16xf32>,
        %parallel_loop3A_353 = vector.shape_cast %parallel_loop3A_352 : vector<1x1x16xf32> to vector<16xf32>
        %parallel_loop3A_354 = vector.shape_cast %parallel_loop3A_347 : vector<16xf32> to vector<1x1x16xf32>
        tpu.vector_store %arg7[%parallel_loop3A_349, %parallel_loop3A_350, %parallel_loop3A_351], %parallel_loop3A_354 {strides = array<i32>} : memref<4x128x64xf32, #tpu.memory_space<vmem>>, vector<1x1x16xf32>,
      } {sc.loop_unroll_factor = 8 : i64, sc.parallel_access}
      %mul3A_173 = arith.constant 128 : i32
      %mul3A_174 = arith.muli %add3A_152, %mul3A_173 : i32
      %add3A_175 = arith.addi %mul3A_2, %mul3A_174 : i32
      %dma_start3A_176 = arith.constant 1 : i32
      %dma_start3A_177 = arith.constant 0 : i32
      %dma_start3A_178 = arith.constant 0 : i32
      %dma_start3A_179 = tpu.memref_slice %arg7[%dma_start3A_176, %dma_start3A_177, %dma_start3A_178] : memref<4x128x64xf32, #tpu.memory_space<vmem>> -> memref<1x128x64xf32, #tpu.memory_space<vmem>>
      %dma_start3A_180 = tpu.memref_squeeze %dma_start3A_179 : memref<1x128x64xf32, #tpu.memory_space<vmem>> -> memref<128x64xf32, #tpu.memory_space<vmem>>
      %dma_start3A_181 = arith.constant 0 : i32
      %dma_start3A_182 = tpu.memref_slice %arg4[%add3A_175, %dma_start3A_181] : memref<819200x64xf32, #tpu.memory_space<hbm>> -> memref<128x64xf32, #tpu.memory_space<hbm>>
      %dma_start3A_183 = arith.constant 0 : i32
      %dma_start3A_184 = tpu.memref_slice %arg4[%add3A_175, %dma_start3A_183] : memref<819200x64xf32, #tpu.memory_space<hbm>> -> memref<128x64xf32, #tpu.memory_space<hbm>>
      %dma_start3A_185 = arith.constant 0 : i32
      %dma_start3A_186 = arith.constant 0 : i32
      %dma_start3A_187 = tpu.memref_slice %arg7[%dma_start3A_176, %dma_start3A_185, %dma_start3A_186] : memref<4x128x64xf32, #tpu.memory_space<vmem>> -> memref<1x128x64xf32, #tpu.memory_space<vmem>>
      %dma_start3A_188 = tpu.memref_squeeze %dma_start3A_187 : memref<1x128x64xf32, #tpu.memory_space<vmem>> -> memref<128x64xf32, #tpu.memory_space<vmem>>
      tpu.enqueue_dma source(%dma_start3A_188 : memref<128x64xf32, #tpu.memory_space<vmem>>) target(%dma_start3A_184 : memref<128x64xf32, #tpu.memory_space<hbm>>) target_semaphore(%arg9 : memref<!tpu.dma_semaphore, #tpu.memory_space<semaphore_mem>>)
      %add3A_189 = arith.constant 4 : i32
      %add3A_190 = arith.addi %add3A_152, %add3A_189 : i32
      %lt3A_191 = arith.constant 200 : i32
      %lt3A_192 = arith.cmpi slt, %add3A_190, %lt3A_191 : i32
      %convert_element_type3A_193 = arith.extui %lt3A_192 : i1 to i32
      %cond3A_194 = arith.constant 0 : i32
      %cond3A_195 = arith.cmpi ne, %convert_element_type3A_193, %cond3A_194 : i32
      scf.if %cond3A_195 {
        %add3A_290 = arith.constant 4 : i32
        %add3A_291 = arith.addi %add3A_152, %add3A_290 : i32
        %dma_start3A_292 = arith.constant 1 : i32
        %dma_start3A_293 = arith.constant 0 : i32
        %dma_start3A_294 = arith.constant 0 : i32
        %dma_start3A_295 = tpu.memref_slice %arg6[%dma_start3A_292, %dma_start3A_293, %dma_start3A_294] : memref<4x128x64xf32, #tpu.memory_space<vmem>> -> memref<1x128x64xf32, #tpu.memory_space<vmem>>
        %dma_start3A_296 = tpu.memref_squeeze %dma_start3A_295 : memref<1x128x64xf32, #tpu.memory_space<vmem>> -> memref<128x64xf32, #tpu.memory_space<vmem>>
        %dma_start3A_297 = arith.constant 0 : i32
        %dma_start3A_298 = tpu.memref_slice %arg5[%add3A_291, %dma_start3A_297] : memref<200x128xi32, #tpu.memory_space<vmem>> -> memref<1x128xi32, #tpu.memory_space<vmem>>
        %dma_start3A_299 = tpu.memref_squeeze %dma_start3A_298 : memref<1x128xi32, #tpu.memory_space<vmem>> -> memref<128xi32, #tpu.memory_space<vmem>>
        %dma_start3A_300 = arith.constant 0 : i32
        %dma_start3A_301 = arith.constant 0 : i32
        %dma_start3A_302 = tpu.memref_slice %arg3[%dma_start3A_300, %dma_start3A_301] : memref<1000000x64xf32, #tpu.memory_space<hbm>> -> memref<1000000x64xf32, #tpu.memory_space<hbm>>
        tpu.enqueue_indirect_dma source(%dma_start3A_302 : memref<1000000x64xf32, #tpu.memory_space<hbm>>) target(%dma_start3A_296 : memref<128x64xf32, #tpu.memory_space<vmem>>) offsets(%dma_start3A_299 : memref<128xi32, #tpu.memory_space<vmem>>) semaphore(%arg8 : memref<!tpu.dma_semaphore, #tpu.memory_space<semaphore_mem>>)
      } else {
      }
      %mul3A_196 = arith.constant 4 : i32
      %mul3A_197 = arith.muli %scan3A_106, %mul3A_196 : i32
      %add3A_198 = arith.constant 2 : i32
      %add3A_199 = arith.addi %mul3A_197, %add3A_198 : i32
      %dma_wait3A_200 = arith.constant 2 : i32
      %dma_wait3A_201 = arith.constant 2 : i32
      %dma_wait3A_202 = arith.constant 0 : i32
      %dma_wait3A_203 = arith.constant 0 : i32
      %dma_wait3A_204 = tpu.memref_slice %arg6[%dma_wait3A_201, %dma_wait3A_202, %dma_wait3A_203] : memref<4x128x64xf32, #tpu.memory_space<vmem>> -> memref<1x128x64xf32, #tpu.memory_space<vmem>>
      %dma_wait3A_205 = tpu.memref_squeeze %dma_wait3A_204 : memref<1x128x64xf32, #tpu.memory_space<vmem>> -> memref<128x64xf32, #tpu.memory_space<vmem>>
      %dma_wait3A_206 = arith.constant 0 : i32
      %dma_wait3A_207 = tpu.memref_slice %arg5[%dma_wait3A_200, %dma_wait3A_206] : memref<200x128xi32, #tpu.memory_space<vmem>> -> memref<1x128xi32, #tpu.memory_space<vmem>>
      %dma_wait3A_208 = tpu.memref_squeeze %dma_wait3A_207 : memref<1x128xi32, #tpu.memory_space<vmem>> -> memref<128xi32, #tpu.memory_space<vmem>>
      %dma_wait3A_209 = arith.constant 0 : i32
      %dma_wait3A_210 = arith.constant 0 : i32
      %dma_wait3A_211 = tpu.memref_slice %arg3[%dma_wait3A_209, %dma_wait3A_210] : memref<1000000x64xf32, #tpu.memory_space<hbm>> -> memref<1000000x64xf32, #tpu.memory_space<hbm>>
      tpu.wait_indirect_dma semaphore(%arg8 : memref<!tpu.dma_semaphore, #tpu.memory_space<semaphore_mem>>) src(%dma_wait3A_211 : memref<1000000x64xf32, #tpu.memory_space<hbm>>) dst(%dma_wait3A_205 : memref<128x64xf32, #tpu.memory_space<vmem>>)
      %gt3A_212 = arith.constant 0 : i32
      %gt3A_213 = arith.cmpi sgt, %scan3A_106, %gt3A_212 : i32
      %convert_element_type3A_214 = arith.extui %gt3A_213 : i1 to i32
      %cond3A_215 = arith.constant 0 : i32
      %cond3A_216 = arith.cmpi ne, %convert_element_type3A_214, %cond3A_215 : i32
      scf.if %cond3A_216 {
        %dma_wait3A_290 = arith.constant 2 : i32
        %dma_wait3A_291 = arith.constant 0 : i32
        %dma_wait3A_292 = arith.constant 0 : i32
        %dma_wait3A_293 = tpu.memref_slice %arg7[%dma_wait3A_290, %dma_wait3A_291, %dma_wait3A_292] : memref<4x128x64xf32, #tpu.memory_space<vmem>> -> memref<1x128x64xf32, #tpu.memory_space<vmem>>
        %dma_wait3A_294 = tpu.memref_squeeze %dma_wait3A_293 : memref<1x128x64xf32, #tpu.memory_space<vmem>> -> memref<128x64xf32, #tpu.memory_space<vmem>>
        %dma_wait3A_295 = arith.constant 0 : i32
        %dma_wait3A_296 = tpu.memref_slice %arg4[%mul3A_2, %dma_wait3A_295] : memref<819200x64xf32, #tpu.memory_space<hbm>> -> memref<128x64xf32, #tpu.memory_space<hbm>>
        %dma_wait3A_297 = arith.constant 0 : i32
        %dma_wait3A_298 = tpu.memref_slice %arg4[%mul3A_2, %dma_wait3A_297] : memref<819200x64xf32, #tpu.memory_space<hbm>> -> memref<128x64xf32, #tpu.memory_space<hbm>>
        %dma_wait3A_299 = arith.constant 0 : i32
        %dma_wait3A_300 = arith.constant 0 : i32
        %dma_wait3A_301 = tpu.memref_slice %arg7[%dma_wait3A_290, %dma_wait3A_299, %dma_wait3A_300] : memref<4x128x64xf32, #tpu.memory_space<vmem>> -> memref<1x128x64xf32, #tpu.memory_space<vmem>>
        %dma_wait3A_302 = tpu.memref_squeeze %dma_wait3A_301 : memref<1x128x64xf32, #tpu.memory_space<vmem>> -> memref<128x64xf32, #tpu.memory_space<vmem>>
        tpu.wait_dma2 semaphore(%arg9 : memref<!tpu.dma_semaphore, #tpu.memory_space<semaphore_mem>>) src(%dma_wait3A_302 : memref<128x64xf32, #tpu.memory_space<vmem>>) dst(%dma_wait3A_298 : memref<128x64xf32, #tpu.memory_space<hbm>>)
      } else {
      }
      %parallel_loop3A_217 = arith.constant 0 : i32
      %parallel_loop3A_218 = arith.constant 128 : i32
      %parallel_loop3A_219 = arith.constant 1 : i32
      scf.for %parallel_loop3A_290 = %parallel_loop3A_217 to %parallel_loop3A_218 step %parallel_loop3A_219  : i32 {
        %parallel_loop3A_291 = arith.constant 2 : i32
        %parallel_loop3A_292 = arith.index_cast %parallel_loop3A_291 : i32 to index
        %parallel_loop3A_293 = arith.index_cast %parallel_loop3A_290 : i32 to index
        %parallel_loop3A_294 = arith.constant 0 : index
        %parallel_loop3A_295 = tpu.vector_load %arg6[%parallel_loop3A_292, %parallel_loop3A_293, %parallel_loop3A_294] {strides = array<i32>} : memref<4x128x64xf32, #tpu.memory_space<vmem>>, vector<1x1x16xf32>,
        %parallel_loop3A_296 = vector.shape_cast %parallel_loop3A_295 : vector<1x1x16xf32> to vector<16xf32>
        %parallel_loop3A_297 = arith.constant 8.000000e+00 : f32
        %parallel_loop3A_298 = vector.broadcast %parallel_loop3A_297 : f32 to vector<16xf32>
        %parallel_loop3A_299 = arith.mulf %parallel_loop3A_296, %parallel_loop3A_298 : vector<16xf32>
        %parallel_loop3A_300 = arith.constant 2 : i32
        %parallel_loop3A_301 = arith.index_cast %parallel_loop3A_300 : i32 to index
        %parallel_loop3A_302 = arith.index_cast %parallel_loop3A_290 : i32 to index
        %parallel_loop3A_303 = arith.constant 0 : index
        %parallel_loop3A_304 = tpu.vector_load %arg7[%parallel_loop3A_301, %parallel_loop3A_302, %parallel_loop3A_303] {strides = array<i32>} : memref<4x128x64xf32, #tpu.memory_space<vmem>>, vector<1x1x16xf32>,
        %parallel_loop3A_305 = vector.shape_cast %parallel_loop3A_304 : vector<1x1x16xf32> to vector<16xf32>
        %parallel_loop3A_306 = vector.shape_cast %parallel_loop3A_299 : vector<16xf32> to vector<1x1x16xf32>
        tpu.vector_store %arg7[%parallel_loop3A_301, %parallel_loop3A_302, %parallel_loop3A_303], %parallel_loop3A_306 {strides = array<i32>} : memref<4x128x64xf32, #tpu.memory_space<vmem>>, vector<1x1x16xf32>,
        %parallel_loop3A_307 = arith.constant 2 : i32
        %parallel_loop3A_308 = arith.index_cast %parallel_loop3A_307 : i32 to index
        %parallel_loop3A_309 = arith.index_cast %parallel_loop3A_290 : i32 to index
        %parallel_loop3A_310 = arith.constant 16 : index
        %parallel_loop3A_311 = tpu.vector_load %arg6[%parallel_loop3A_308, %parallel_loop3A_309, %parallel_loop3A_310] {strides = array<i32>} : memref<4x128x64xf32, #tpu.memory_space<vmem>>, vector<1x1x16xf32>,
        %parallel_loop3A_312 = vector.shape_cast %parallel_loop3A_311 : vector<1x1x16xf32> to vector<16xf32>
        %parallel_loop3A_313 = arith.constant 8.000000e+00 : f32
        %parallel_loop3A_314 = vector.broadcast %parallel_loop3A_313 : f32 to vector<16xf32>
        %parallel_loop3A_315 = arith.mulf %parallel_loop3A_312, %parallel_loop3A_314 : vector<16xf32>
        %parallel_loop3A_316 = arith.constant 2 : i32
        %parallel_loop3A_317 = arith.index_cast %parallel_loop3A_316 : i32 to index
        %parallel_loop3A_318 = arith.index_cast %parallel_loop3A_290 : i32 to index
        %parallel_loop3A_319 = arith.constant 16 : index
        %parallel_loop3A_320 = tpu.vector_load %arg7[%parallel_loop3A_317, %parallel_loop3A_318, %parallel_loop3A_319] {strides = array<i32>} : memref<4x128x64xf32, #tpu.memory_space<vmem>>, vector<1x1x16xf32>,
        %parallel_loop3A_321 = vector.shape_cast %parallel_loop3A_320 : vector<1x1x16xf32> to vector<16xf32>
        %parallel_loop3A_322 = vector.shape_cast %parallel_loop3A_315 : vector<16xf32> to vector<1x1x16xf32>
        tpu.vector_store %arg7[%parallel_loop3A_317, %parallel_loop3A_318, %parallel_loop3A_319], %parallel_loop3A_322 {strides = array<i32>} : memref<4x128x64xf32, #tpu.memory_space<vmem>>, vector<1x1x16xf32>,
        %parallel_loop3A_323 = arith.constant 2 : i32
        %parallel_loop3A_324 = arith.index_cast %parallel_loop3A_323 : i32 to index
        %parallel_loop3A_325 = arith.index_cast %parallel_loop3A_290 : i32 to index
        %parallel_loop3A_326 = arith.constant 32 : index
        %parallel_loop3A_327 = tpu.vector_load %arg6[%parallel_loop3A_324, %parallel_loop3A_325, %parallel_loop3A_326] {strides = array<i32>} : memref<4x128x64xf32, #tpu.memory_space<vmem>>, vector<1x1x16xf32>,
        %parallel_loop3A_328 = vector.shape_cast %parallel_loop3A_327 : vector<1x1x16xf32> to vector<16xf32>
        %parallel_loop3A_329 = arith.constant 8.000000e+00 : f32
        %parallel_loop3A_330 = vector.broadcast %parallel_loop3A_329 : f32 to vector<16xf32>
        %parallel_loop3A_331 = arith.mulf %parallel_loop3A_328, %parallel_loop3A_330 : vector<16xf32>
        %parallel_loop3A_332 = arith.constant 2 : i32
        %parallel_loop3A_333 = arith.index_cast %parallel_loop3A_332 : i32 to index
        %parallel_loop3A_334 = arith.index_cast %parallel_loop3A_290 : i32 to index
        %parallel_loop3A_335 = arith.constant 32 : index
        %parallel_loop3A_336 = tpu.vector_load %arg7[%parallel_loop3A_333, %parallel_loop3A_334, %parallel_loop3A_335] {strides = array<i32>} : memref<4x128x64xf32, #tpu.memory_space<vmem>>, vector<1x1x16xf32>,
        %parallel_loop3A_337 = vector.shape_cast %parallel_loop3A_336 : vector<1x1x16xf32> to vector<16xf32>
        %parallel_loop3A_338 = vector.shape_cast %parallel_loop3A_331 : vector<16xf32> to vector<1x1x16xf32>
        tpu.vector_store %arg7[%parallel_loop3A_333, %parallel_loop3A_334, %parallel_loop3A_335], %parallel_loop3A_338 {strides = array<i32>} : memref<4x128x64xf32, #tpu.memory_space<vmem>>, vector<1x1x16xf32>,
        %parallel_loop3A_339 = arith.constant 2 : i32
        %parallel_loop3A_340 = arith.index_cast %parallel_loop3A_339 : i32 to index
        %parallel_loop3A_341 = arith.index_cast %parallel_loop3A_290 : i32 to index
        %parallel_loop3A_342 = arith.constant 48 : index
        %parallel_loop3A_343 = tpu.vector_load %arg6[%parallel_loop3A_340, %parallel_loop3A_341, %parallel_loop3A_342] {strides = array<i32>} : memref<4x128x64xf32, #tpu.memory_space<vmem>>, vector<1x1x16xf32>,
        %parallel_loop3A_344 = vector.shape_cast %parallel_loop3A_343 : vector<1x1x16xf32> to vector<16xf32>
        %parallel_loop3A_345 = arith.constant 8.000000e+00 : f32
        %parallel_loop3A_346 = vector.broadcast %parallel_loop3A_345 : f32 to vector<16xf32>
        %parallel_loop3A_347 = arith.mulf %parallel_loop3A_344, %parallel_loop3A_346 : vector<16xf32>
        %parallel_loop3A_348 = arith.constant 2 : i32
        %parallel_loop3A_349 = arith.index_cast %parallel_loop3A_348 : i32 to index
        %parallel_loop3A_350 = arith.index_cast %parallel_loop3A_290 : i32 to index
        %parallel_loop3A_351 = arith.constant 48 : index
        %parallel_loop3A_352 = tpu.vector_load %arg7[%parallel_loop3A_349, %parallel_loop3A_350, %parallel_loop3A_351] {strides = array<i32>} : memref<4x128x64xf32, #tpu.memory_space<vmem>>, vector<1x1x16xf32>,
        %parallel_loop3A_353 = vector.shape_cast %parallel_loop3A_352 : vector<1x1x16xf32> to vector<16xf32>
        %parallel_loop3A_354 = vector.shape_cast %parallel_loop3A_347 : vector<16xf32> to vector<1x1x16xf32>
        tpu.vector_store %arg7[%parallel_loop3A_349, %parallel_loop3A_350, %parallel_loop3A_351], %parallel_loop3A_354 {strides = array<i32>} : memref<4x128x64xf32, #tpu.memory_space<vmem>>, vector<1x1x16xf32>,
      } {sc.loop_unroll_factor = 8 : i64, sc.parallel_access}
      %mul3A_220 = arith.constant 128 : i32
      %mul3A_221 = arith.muli %add3A_199, %mul3A_220 : i32
      %add3A_222 = arith.addi %mul3A_2, %mul3A_221 : i32
      %dma_start3A_223 = arith.constant 2 : i32
      %dma_start3A_224 = arith.constant 0 : i32
      %dma_start3A_225 = arith.constant 0 : i32
      %dma_start3A_226 = tpu.memref_slice %arg7[%dma_start3A_223, %dma_start3A_224, %dma_start3A_225] : memref<4x128x64xf32, #tpu.memory_space<vmem>> -> memref<1x128x64xf32, #tpu.memory_space<vmem>>
      %dma_start3A_227 = tpu.memref_squeeze %dma_start3A_226 : memref<1x128x64xf32, #tpu.memory_space<vmem>> -> memref<128x64xf32, #tpu.memory_space<vmem>>
      %dma_start3A_228 = arith.constant 0 : i32
      %dma_start3A_229 = tpu.memref_slice %arg4[%add3A_222, %dma_start3A_228] : memref<819200x64xf32, #tpu.memory_space<hbm>> -> memref<128x64xf32, #tpu.memory_space<hbm>>
      %dma_start3A_230 = arith.constant 0 : i32
      %dma_start3A_231 = tpu.memref_slice %arg4[%add3A_222, %dma_start3A_230] : memref<819200x64xf32, #tpu.memory_space<hbm>> -> memref<128x64xf32, #tpu.memory_space<hbm>>
      %dma_start3A_232 = arith.constant 0 : i32
      %dma_start3A_233 = arith.constant 0 : i32
      %dma_start3A_234 = tpu.memref_slice %arg7[%dma_start3A_223, %dma_start3A_232, %dma_start3A_233] : memref<4x128x64xf32, #tpu.memory_space<vmem>> -> memref<1x128x64xf32, #tpu.memory_space<vmem>>
      %dma_start3A_235 = tpu.memref_squeeze %dma_start3A_234 : memref<1x128x64xf32, #tpu.memory_space<vmem>> -> memref<128x64xf32, #tpu.memory_space<vmem>>
      tpu.enqueue_dma source(%dma_start3A_235 : memref<128x64xf32, #tpu.memory_space<vmem>>) target(%dma_start3A_231 : memref<128x64xf32, #tpu.memory_space<hbm>>) target_semaphore(%arg9 : memref<!tpu.dma_semaphore, #tpu.memory_space<semaphore_mem>>)
      %add3A_236 = arith.constant 4 : i32
      %add3A_237 = arith.addi %add3A_199, %add3A_236 : i32
      %lt3A_238 = arith.constant 200 : i32
      %lt3A_239 = arith.cmpi slt, %add3A_237, %lt3A_238 : i32
      %convert_element_type3A_240 = arith.extui %lt3A_239 : i1 to i32
      %cond3A_241 = arith.constant 0 : i32
      %cond3A_242 = arith.cmpi ne, %convert_element_type3A_240, %cond3A_241 : i32
      scf.if %cond3A_242 {
        %add3A_290 = arith.constant 4 : i32
        %add3A_291 = arith.addi %add3A_199, %add3A_290 : i32
        %dma_start3A_292 = arith.constant 2 : i32
        %dma_start3A_293 = arith.constant 0 : i32
        %dma_start3A_294 = arith.constant 0 : i32
        %dma_start3A_295 = tpu.memref_slice %arg6[%dma_start3A_292, %dma_start3A_293, %dma_start3A_294] : memref<4x128x64xf32, #tpu.memory_space<vmem>> -> memref<1x128x64xf32, #tpu.memory_space<vmem>>
        %dma_start3A_296 = tpu.memref_squeeze %dma_start3A_295 : memref<1x128x64xf32, #tpu.memory_space<vmem>> -> memref<128x64xf32, #tpu.memory_space<vmem>>
        %dma_start3A_297 = arith.constant 0 : i32
        %dma_start3A_298 = tpu.memref_slice %arg5[%add3A_291, %dma_start3A_297] : memref<200x128xi32, #tpu.memory_space<vmem>> -> memref<1x128xi32, #tpu.memory_space<vmem>>
        %dma_start3A_299 = tpu.memref_squeeze %dma_start3A_298 : memref<1x128xi32, #tpu.memory_space<vmem>> -> memref<128xi32, #tpu.memory_space<vmem>>
        %dma_start3A_300 = arith.constant 0 : i32
        %dma_start3A_301 = arith.constant 0 : i32
        %dma_start3A_302 = tpu.memref_slice %arg3[%dma_start3A_300, %dma_start3A_301] : memref<1000000x64xf32, #tpu.memory_space<hbm>> -> memref<1000000x64xf32, #tpu.memory_space<hbm>>
        tpu.enqueue_indirect_dma source(%dma_start3A_302 : memref<1000000x64xf32, #tpu.memory_space<hbm>>) target(%dma_start3A_296 : memref<128x64xf32, #tpu.memory_space<vmem>>) offsets(%dma_start3A_299 : memref<128xi32, #tpu.memory_space<vmem>>) semaphore(%arg8 : memref<!tpu.dma_semaphore, #tpu.memory_space<semaphore_mem>>)
      } else {
      }
      %mul3A_243 = arith.constant 4 : i32
      %mul3A_244 = arith.muli %scan3A_106, %mul3A_243 : i32
      %add3A_245 = arith.constant 3 : i32
      %add3A_246 = arith.addi %mul3A_244, %add3A_245 : i32
      %dma_wait3A_247 = arith.constant 3 : i32
      %dma_wait3A_248 = arith.constant 3 : i32
      %dma_wait3A_249 = arith.constant 0 : i32
      %dma_wait3A_250 = arith.constant 0 : i32
      %dma_wait3A_251 = tpu.memref_slice %arg6[%dma_wait3A_248, %dma_wait3A_249, %dma_wait3A_250] : memref<4x128x64xf32, #tpu.memory_space<vmem>> -> memref<1x128x64xf32, #tpu.memory_space<vmem>>
      %dma_wait3A_252 = tpu.memref_squeeze %dma_wait3A_251 : memref<1x128x64xf32, #tpu.memory_space<vmem>> -> memref<128x64xf32, #tpu.memory_space<vmem>>
      %dma_wait3A_253 = arith.constant 0 : i32
      %dma_wait3A_254 = tpu.memref_slice %arg5[%dma_wait3A_247, %dma_wait3A_253] : memref<200x128xi32, #tpu.memory_space<vmem>> -> memref<1x128xi32, #tpu.memory_space<vmem>>
      %dma_wait3A_255 = tpu.memref_squeeze %dma_wait3A_254 : memref<1x128xi32, #tpu.memory_space<vmem>> -> memref<128xi32, #tpu.memory_space<vmem>>
      %dma_wait3A_256 = arith.constant 0 : i32
      %dma_wait3A_257 = arith.constant 0 : i32
      %dma_wait3A_258 = tpu.memref_slice %arg3[%dma_wait3A_256, %dma_wait3A_257] : memref<1000000x64xf32, #tpu.memory_space<hbm>> -> memref<1000000x64xf32, #tpu.memory_space<hbm>>
      tpu.wait_indirect_dma semaphore(%arg8 : memref<!tpu.dma_semaphore, #tpu.memory_space<semaphore_mem>>) src(%dma_wait3A_258 : memref<1000000x64xf32, #tpu.memory_space<hbm>>) dst(%dma_wait3A_252 : memref<128x64xf32, #tpu.memory_space<vmem>>)
      %gt3A_259 = arith.constant 0 : i32
      %gt3A_260 = arith.cmpi sgt, %scan3A_106, %gt3A_259 : i32
      %convert_element_type3A_261 = arith.extui %gt3A_260 : i1 to i32
      %cond3A_262 = arith.constant 0 : i32
      %cond3A_263 = arith.cmpi ne, %convert_element_type3A_261, %cond3A_262 : i32
      scf.if %cond3A_263 {
        %dma_wait3A_290 = arith.constant 3 : i32
        %dma_wait3A_291 = arith.constant 0 : i32
        %dma_wait3A_292 = arith.constant 0 : i32
        %dma_wait3A_293 = tpu.memref_slice %arg7[%dma_wait3A_290, %dma_wait3A_291, %dma_wait3A_292] : memref<4x128x64xf32, #tpu.memory_space<vmem>> -> memref<1x128x64xf32, #tpu.memory_space<vmem>>
        %dma_wait3A_294 = tpu.memref_squeeze %dma_wait3A_293 : memref<1x128x64xf32, #tpu.memory_space<vmem>> -> memref<128x64xf32, #tpu.memory_space<vmem>>
        %dma_wait3A_295 = arith.constant 0 : i32
        %dma_wait3A_296 = tpu.memref_slice %arg4[%mul3A_2, %dma_wait3A_295] : memref<819200x64xf32, #tpu.memory_space<hbm>> -> memref<128x64xf32, #tpu.memory_space<hbm>>
        %dma_wait3A_297 = arith.constant 0 : i32
        %dma_wait3A_298 = tpu.memref_slice %arg4[%mul3A_2, %dma_wait3A_297] : memref<819200x64xf32, #tpu.memory_space<hbm>> -> memref<128x64xf32, #tpu.memory_space<hbm>>
        %dma_wait3A_299 = arith.constant 0 : i32
        %dma_wait3A_300 = arith.constant 0 : i32
        %dma_wait3A_301 = tpu.memref_slice %arg7[%dma_wait3A_290, %dma_wait3A_299, %dma_wait3A_300] : memref<4x128x64xf32, #tpu.memory_space<vmem>> -> memref<1x128x64xf32, #tpu.memory_space<vmem>>
        %dma_wait3A_302 = tpu.memref_squeeze %dma_wait3A_301 : memref<1x128x64xf32, #tpu.memory_space<vmem>> -> memref<128x64xf32, #tpu.memory_space<vmem>>
        tpu.wait_dma2 semaphore(%arg9 : memref<!tpu.dma_semaphore, #tpu.memory_space<semaphore_mem>>) src(%dma_wait3A_302 : memref<128x64xf32, #tpu.memory_space<vmem>>) dst(%dma_wait3A_298 : memref<128x64xf32, #tpu.memory_space<hbm>>)
      } else {
      }
      %parallel_loop3A_264 = arith.constant 0 : i32
      %parallel_loop3A_265 = arith.constant 128 : i32
      %parallel_loop3A_266 = arith.constant 1 : i32
      scf.for %parallel_loop3A_290 = %parallel_loop3A_264 to %parallel_loop3A_265 step %parallel_loop3A_266  : i32 {
        %parallel_loop3A_291 = arith.constant 3 : i32
        %parallel_loop3A_292 = arith.index_cast %parallel_loop3A_291 : i32 to index
        %parallel_loop3A_293 = arith.index_cast %parallel_loop3A_290 : i32 to index
        %parallel_loop3A_294 = arith.constant 0 : index
        %parallel_loop3A_295 = tpu.vector_load %arg6[%parallel_loop3A_292, %parallel_loop3A_293, %parallel_loop3A_294] {strides = array<i32>} : memref<4x128x64xf32, #tpu.memory_space<vmem>>, vector<1x1x16xf32>,
        %parallel_loop3A_296 = vector.shape_cast %parallel_loop3A_295 : vector<1x1x16xf32> to vector<16xf32>
        %parallel_loop3A_297 = arith.constant 8.000000e+00 : f32
        %parallel_loop3A_298 = vector.broadcast %parallel_loop3A_297 : f32 to vector<16xf32>
        %parallel_loop3A_299 = arith.mulf %parallel_loop3A_296, %parallel_loop3A_298 : vector<16xf32>
        %parallel_loop3A_300 = arith.constant 3 : i32
        %parallel_loop3A_301 = arith.index_cast %parallel_loop3A_300 : i32 to index
        %parallel_loop3A_302 = arith.index_cast %parallel_loop3A_290 : i32 to index
        %parallel_loop3A_303 = arith.constant 0 : index
        %parallel_loop3A_304 = tpu.vector_load %arg7[%parallel_loop3A_301, %parallel_loop3A_302, %parallel_loop3A_303] {strides = array<i32>} : memref<4x128x64xf32, #tpu.memory_space<vmem>>, vector<1x1x16xf32>,
        %parallel_loop3A_305 = vector.shape_cast %parallel_loop3A_304 : vector<1x1x16xf32> to vector<16xf32>
        %parallel_loop3A_306 = vector.shape_cast %parallel_loop3A_299 : vector<16xf32> to vector<1x1x16xf32>
        tpu.vector_store %arg7[%parallel_loop3A_301, %parallel_loop3A_302, %parallel_loop3A_303], %parallel_loop3A_306 {strides = array<i32>} : memref<4x128x64xf32, #tpu.memory_space<vmem>>, vector<1x1x16xf32>,
        %parallel_loop3A_307 = arith.constant 3 : i32
        %parallel_loop3A_308 = arith.index_cast %parallel_loop3A_307 : i32 to index
        %parallel_loop3A_309 = arith.index_cast %parallel_loop3A_290 : i32 to index
        %parallel_loop3A_310 = arith.constant 16 : index
        %parallel_loop3A_311 = tpu.vector_load %arg6[%parallel_loop3A_308, %parallel_loop3A_309, %parallel_loop3A_310] {strides = array<i32>} : memref<4x128x64xf32, #tpu.memory_space<vmem>>, vector<1x1x16xf32>,
        %parallel_loop3A_312 = vector.shape_cast %parallel_loop3A_311 : vector<1x1x16xf32> to vector<16xf32>
        %parallel_loop3A_313 = arith.constant 8.000000e+00 : f32
        %parallel_loop3A_314 = vector.broadcast %parallel_loop3A_313 : f32 to vector<16xf32>
        %parallel_loop3A_315 = arith.mulf %parallel_loop3A_312, %parallel_loop3A_314 : vector<16xf32>
        %parallel_loop3A_316 = arith.constant 3 : i32
        %parallel_loop3A_317 = arith.index_cast %parallel_loop3A_316 : i32 to index
        %parallel_loop3A_318 = arith.index_cast %parallel_loop3A_290 : i32 to index
        %parallel_loop3A_319 = arith.constant 16 : index
        %parallel_loop3A_320 = tpu.vector_load %arg7[%parallel_loop3A_317, %parallel_loop3A_318, %parallel_loop3A_319] {strides = array<i32>} : memref<4x128x64xf32, #tpu.memory_space<vmem>>, vector<1x1x16xf32>,
        %parallel_loop3A_321 = vector.shape_cast %parallel_loop3A_320 : vector<1x1x16xf32> to vector<16xf32>
        %parallel_loop3A_322 = vector.shape_cast %parallel_loop3A_315 : vector<16xf32> to vector<1x1x16xf32>
        tpu.vector_store %arg7[%parallel_loop3A_317, %parallel_loop3A_318, %parallel_loop3A_319], %parallel_loop3A_322 {strides = array<i32>} : memref<4x128x64xf32, #tpu.memory_space<vmem>>, vector<1x1x16xf32>,
        %parallel_loop3A_323 = arith.constant 3 : i32
        %parallel_loop3A_324 = arith.index_cast %parallel_loop3A_323 : i32 to index
        %parallel_loop3A_325 = arith.index_cast %parallel_loop3A_290 : i32 to index
        %parallel_loop3A_326 = arith.constant 32 : index
        %parallel_loop3A_327 = tpu.vector_load %arg6[%parallel_loop3A_324, %parallel_loop3A_325, %parallel_loop3A_326] {strides = array<i32>} : memref<4x128x64xf32, #tpu.memory_space<vmem>>, vector<1x1x16xf32>,
        %parallel_loop3A_328 = vector.shape_cast %parallel_loop3A_327 : vector<1x1x16xf32> to vector<16xf32>
        %parallel_loop3A_329 = arith.constant 8.000000e+00 : f32
        %parallel_loop3A_330 = vector.broadcast %parallel_loop3A_329 : f32 to vector<16xf32>
        %parallel_loop3A_331 = arith.mulf %parallel_loop3A_328, %parallel_loop3A_330 : vector<16xf32>
        %parallel_loop3A_332 = arith.constant 3 : i32
        %parallel_loop3A_333 = arith.index_cast %parallel_loop3A_332 : i32 to index
        %parallel_loop3A_334 = arith.index_cast %parallel_loop3A_290 : i32 to index
        %parallel_loop3A_335 = arith.constant 32 : index
        %parallel_loop3A_336 = tpu.vector_load %arg7[%parallel_loop3A_333, %parallel_loop3A_334, %parallel_loop3A_335] {strides = array<i32>} : memref<4x128x64xf32, #tpu.memory_space<vmem>>, vector<1x1x16xf32>,
        %parallel_loop3A_337 = vector.shape_cast %parallel_loop3A_336 : vector<1x1x16xf32> to vector<16xf32>
        %parallel_loop3A_338 = vector.shape_cast %parallel_loop3A_331 : vector<16xf32> to vector<1x1x16xf32>
        tpu.vector_store %arg7[%parallel_loop3A_333, %parallel_loop3A_334, %parallel_loop3A_335], %parallel_loop3A_338 {strides = array<i32>} : memref<4x128x64xf32, #tpu.memory_space<vmem>>, vector<1x1x16xf32>,
        %parallel_loop3A_339 = arith.constant 3 : i32
        %parallel_loop3A_340 = arith.index_cast %parallel_loop3A_339 : i32 to index
        %parallel_loop3A_341 = arith.index_cast %parallel_loop3A_290 : i32 to index
        %parallel_loop3A_342 = arith.constant 48 : index
        %parallel_loop3A_343 = tpu.vector_load %arg6[%parallel_loop3A_340, %parallel_loop3A_341, %parallel_loop3A_342] {strides = array<i32>} : memref<4x128x64xf32, #tpu.memory_space<vmem>>, vector<1x1x16xf32>,
        %parallel_loop3A_344 = vector.shape_cast %parallel_loop3A_343 : vector<1x1x16xf32> to vector<16xf32>
        %parallel_loop3A_345 = arith.constant 8.000000e+00 : f32
        %parallel_loop3A_346 = vector.broadcast %parallel_loop3A_345 : f32 to vector<16xf32>
        %parallel_loop3A_347 = arith.mulf %parallel_loop3A_344, %parallel_loop3A_346 : vector<16xf32>
        %parallel_loop3A_348 = arith.constant 3 : i32
        %parallel_loop3A_349 = arith.index_cast %parallel_loop3A_348 : i32 to index
        %parallel_loop3A_350 = arith.index_cast %parallel_loop3A_290 : i32 to index
        %parallel_loop3A_351 = arith.constant 48 : index
        %parallel_loop3A_352 = tpu.vector_load %arg7[%parallel_loop3A_349, %parallel_loop3A_350, %parallel_loop3A_351] {strides = array<i32>} : memref<4x128x64xf32, #tpu.memory_space<vmem>>, vector<1x1x16xf32>,
        %parallel_loop3A_353 = vector.shape_cast %parallel_loop3A_352 : vector<1x1x16xf32> to vector<16xf32>
        %parallel_loop3A_354 = vector.shape_cast %parallel_loop3A_347 : vector<16xf32> to vector<1x1x16xf32>
        tpu.vector_store %arg7[%parallel_loop3A_349, %parallel_loop3A_350, %parallel_loop3A_351], %parallel_loop3A_354 {strides = array<i32>} : memref<4x128x64xf32, #tpu.memory_space<vmem>>, vector<1x1x16xf32>,
      } {sc.loop_unroll_factor = 8 : i64, sc.parallel_access}
      %mul3A_267 = arith.constant 128 : i32
      %mul3A_268 = arith.muli %add3A_246, %mul3A_267 : i32
      %add3A_269 = arith.addi %mul3A_2, %mul3A_268 : i32
      %dma_start3A_270 = arith.constant 3 : i32
      %dma_start3A_271 = arith.constant 0 : i32
      %dma_start3A_272 = arith.constant 0 : i32
      %dma_start3A_273 = tpu.memref_slice %arg7[%dma_start3A_270, %dma_start3A_271, %dma_start3A_272] : memref<4x128x64xf32, #tpu.memory_space<vmem>> -> memref<1x128x64xf32, #tpu.memory_space<vmem>>
      %dma_start3A_274 = tpu.memref_squeeze %dma_start3A_273 : memref<1x128x64xf32, #tpu.memory_space<vmem>> -> memref<128x64xf32, #tpu.memory_space<vmem>>
      %dma_start3A_275 = arith.constant 0 : i32
      %dma_start3A_276 = tpu.memref_slice %arg4[%add3A_269, %dma_start3A_275] : memref<819200x64xf32, #tpu.memory_space<hbm>> -> memref<128x64xf32, #tpu.memory_space<hbm>>
      %dma_start3A_277 = arith.constant 0 : i32
      %dma_start3A_278 = tpu.memref_slice %arg4[%add3A_269, %dma_start3A_277] : memref<819200x64xf32, #tpu.memory_space<hbm>> -> memref<128x64xf32, #tpu.memory_space<hbm>>
      %dma_start3A_279 = arith.constant 0 : i32
      %dma_start3A_280 = arith.constant 0 : i32
      %dma_start3A_281 = tpu.memref_slice %arg7[%dma_start3A_270, %dma_start3A_279, %dma_start3A_280] : memref<4x128x64xf32, #tpu.memory_space<vmem>> -> memref<1x128x64xf32, #tpu.memory_space<vmem>>
      %dma_start3A_282 = tpu.memref_squeeze %dma_start3A_281 : memref<1x128x64xf32, #tpu.memory_space<vmem>> -> memref<128x64xf32, #tpu.memory_space<vmem>>
      tpu.enqueue_dma source(%dma_start3A_282 : memref<128x64xf32, #tpu.memory_space<vmem>>) target(%dma_start3A_278 : memref<128x64xf32, #tpu.memory_space<hbm>>) target_semaphore(%arg9 : memref<!tpu.dma_semaphore, #tpu.memory_space<semaphore_mem>>)
      %add3A_283 = arith.constant 4 : i32
      %add3A_284 = arith.addi %add3A_246, %add3A_283 : i32
      %lt3A_285 = arith.constant 200 : i32
      %lt3A_286 = arith.cmpi slt, %add3A_284, %lt3A_285 : i32
      %convert_element_type3A_287 = arith.extui %lt3A_286 : i1 to i32
      %cond3A_288 = arith.constant 0 : i32
      %cond3A_289 = arith.cmpi ne, %convert_element_type3A_287, %cond3A_288 : i32
      scf.if %cond3A_289 {
        %add3A_290 = arith.constant 4 : i32
        %add3A_291 = arith.addi %add3A_246, %add3A_290 : i32
        %dma_start3A_292 = arith.constant 3 : i32
        %dma_start3A_293 = arith.constant 0 : i32
        %dma_start3A_294 = arith.constant 0 : i32
        %dma_start3A_295 = tpu.memref_slice %arg6[%dma_start3A_292, %dma_start3A_293, %dma_start3A_294] : memref<4x128x64xf32, #tpu.memory_space<vmem>> -> memref<1x128x64xf32, #tpu.memory_space<vmem>>
        %dma_start3A_296 = tpu.memref_squeeze %dma_start3A_295 : memref<1x128x64xf32, #tpu.memory_space<vmem>> -> memref<128x64xf32, #tpu.memory_space<vmem>>
        %dma_start3A_297 = arith.constant 0 : i32
        %dma_start3A_298 = tpu.memref_slice %arg5[%add3A_291, %dma_start3A_297] : memref<200x128xi32, #tpu.memory_space<vmem>> -> memref<1x128xi32, #tpu.memory_space<vmem>>
        %dma_start3A_299 = tpu.memref_squeeze %dma_start3A_298 : memref<1x128xi32, #tpu.memory_space<vmem>> -> memref<128xi32, #tpu.memory_space<vmem>>
        %dma_start3A_300 = arith.constant 0 : i32
        %dma_start3A_301 = arith.constant 0 : i32
        %dma_start3A_302 = tpu.memref_slice %arg3[%dma_start3A_300, %dma_start3A_301] : memref<1000000x64xf32, #tpu.memory_space<hbm>> -> memref<1000000x64xf32, #tpu.memory_space<hbm>>
        tpu.enqueue_indirect_dma source(%dma_start3A_302 : memref<1000000x64xf32, #tpu.memory_space<hbm>>) target(%dma_start3A_296 : memref<128x64xf32, #tpu.memory_space<vmem>>) offsets(%dma_start3A_299 : memref<128xi32, #tpu.memory_space<vmem>>) semaphore(%arg8 : memref<!tpu.dma_semaphore, #tpu.memory_space<semaphore_mem>>)
      } else {
      }
    }
    %scan3A_54 = arith.constant 50 : i32
    %dma_wait3A = arith.constant 0 : i32
    %dma_wait3A_55 = arith.constant 0 : i32
    %dma_wait3A_56 = arith.constant 0 : i32
    %dma_wait3A_57 = tpu.memref_slice %arg7[%dma_wait3A, %dma_wait3A_55, %dma_wait3A_56] : memref<4x128x64xf32, #tpu.memory_space<vmem>> -> memref<1x128x64xf32, #tpu.memory_space<vmem>>
    %dma_wait3A_58 = tpu.memref_squeeze %dma_wait3A_57 : memref<1x128x64xf32, #tpu.memory_space<vmem>> -> memref<128x64xf32, #tpu.memory_space<vmem>>
    %dma_wait3A_59 = arith.constant 0 : i32
    %dma_wait3A_60 = tpu.memref_slice %arg4[%mul3A_2, %dma_wait3A_59] : memref<819200x64xf32, #tpu.memory_space<hbm>> -> memref<128x64xf32, #tpu.memory_space<hbm>>
    %dma_wait3A_61 = arith.constant 0 : i32
    %dma_wait3A_62 = tpu.memref_slice %arg4[%mul3A_2, %dma_wait3A_61] : memref<819200x64xf32, #tpu.memory_space<hbm>> -> memref<128x64xf32, #tpu.memory_space<hbm>>
    %dma_wait3A_63 = arith.constant 0 : i32
    %dma_wait3A_64 = arith.constant 0 : i32
    %dma_wait3A_65 = tpu.memref_slice %arg7[%dma_wait3A, %dma_wait3A_63, %dma_wait3A_64] : memref<4x128x64xf32, #tpu.memory_space<vmem>> -> memref<1x128x64xf32, #tpu.memory_space<vmem>>
    %dma_wait3A_66 = tpu.memref_squeeze %dma_wait3A_65 : memref<1x128x64xf32, #tpu.memory_space<vmem>> -> memref<128x64xf32, #tpu.memory_space<vmem>>
    tpu.wait_dma2 semaphore(%arg9 : memref<!tpu.dma_semaphore, #tpu.memory_space<semaphore_mem>>) src(%dma_wait3A_66 : memref<128x64xf32, #tpu.memory_space<vmem>>) dst(%dma_wait3A_62 : memref<128x64xf32, #tpu.memory_space<hbm>>)
    %dma_wait3A_67 = arith.constant 1 : i32
    %dma_wait3A_68 = arith.constant 0 : i32
    %dma_wait3A_69 = arith.constant 0 : i32
    %dma_wait3A_70 = tpu.memref_slice %arg7[%dma_wait3A_67, %dma_wait3A_68, %dma_wait3A_69] : memref<4x128x64xf32, #tpu.memory_space<vmem>> -> memref<1x128x64xf32, #tpu.memory_space<vmem>>
    %dma_wait3A_71 = tpu.memref_squeeze %dma_wait3A_70 : memref<1x128x64xf32, #tpu.memory_space<vmem>> -> memref<128x64xf32, #tpu.memory_space<vmem>>
    %dma_wait3A_72 = arith.constant 0 : i32
    %dma_wait3A_73 = tpu.memref_slice %arg4[%mul3A_2, %dma_wait3A_72] : memref<819200x64xf32, #tpu.memory_space<hbm>> -> memref<128x64xf32, #tpu.memory_space<hbm>>
    %dma_wait3A_74 = arith.constant 0 : i32
    %dma_wait3A_75 = tpu.memref_slice %arg4[%mul3A_2, %dma_wait3A_74] : memref<819200x64xf32, #tpu.memory_space<hbm>> -> memref<128x64xf32, #tpu.memory_space<hbm>>
    %dma_wait3A_76 = arith.constant 0 : i32
    %dma_wait3A_77 = arith.constant 0 : i32
    %dma_wait3A_78 = tpu.memref_slice %arg7[%dma_wait3A_67, %dma_wait3A_76, %dma_wait3A_77] : memref<4x128x64xf32, #tpu.memory_space<vmem>> -> memref<1x128x64xf32, #tpu.memory_space<vmem>>
    %dma_wait3A_79 = tpu.memref_squeeze %dma_wait3A_78 : memref<1x128x64xf32, #tpu.memory_space<vmem>> -> memref<128x64xf32, #tpu.memory_space<vmem>>
    tpu.wait_dma2 semaphore(%arg9 : memref<!tpu.dma_semaphore, #tpu.memory_space<semaphore_mem>>) src(%dma_wait3A_79 : memref<128x64xf32, #tpu.memory_space<vmem>>) dst(%dma_wait3A_75 : memref<128x64xf32, #tpu.memory_space<hbm>>)
    %dma_wait3A_80 = arith.constant 2 : i32
    %dma_wait3A_81 = arith.constant 0 : i32
    %dma_wait3A_82 = arith.constant 0 : i32
    %dma_wait3A_83 = tpu.memref_slice %arg7[%dma_wait3A_80, %dma_wait3A_81, %dma_wait3A_82] : memref<4x128x64xf32, #tpu.memory_space<vmem>> -> memref<1x128x64xf32, #tpu.memory_space<vmem>>
    %dma_wait3A_84 = tpu.memref_squeeze %dma_wait3A_83 : memref<1x128x64xf32, #tpu.memory_space<vmem>> -> memref<128x64xf32, #tpu.memory_space<vmem>>
    %dma_wait3A_85 = arith.constant 0 : i32
    %dma_wait3A_86 = tpu.memref_slice %arg4[%mul3A_2, %dma_wait3A_85] : memref<819200x64xf32, #tpu.memory_space<hbm>> -> memref<128x64xf32, #tpu.memory_space<hbm>>
    %dma_wait3A_87 = arith.constant 0 : i32
    %dma_wait3A_88 = tpu.memref_slice %arg4[%mul3A_2, %dma_wait3A_87] : memref<819200x64xf32, #tpu.memory_space<hbm>> -> memref<128x64xf32, #tpu.memory_space<hbm>>
    %dma_wait3A_89 = arith.constant 0 : i32
    %dma_wait3A_90 = arith.constant 0 : i32
    %dma_wait3A_91 = tpu.memref_slice %arg7[%dma_wait3A_80, %dma_wait3A_89, %dma_wait3A_90] : memref<4x128x64xf32, #tpu.memory_space<vmem>> -> memref<1x128x64xf32, #tpu.memory_space<vmem>>
    %dma_wait3A_92 = tpu.memref_squeeze %dma_wait3A_91 : memref<1x128x64xf32, #tpu.memory_space<vmem>> -> memref<128x64xf32, #tpu.memory_space<vmem>>
    tpu.wait_dma2 semaphore(%arg9 : memref<!tpu.dma_semaphore, #tpu.memory_space<semaphore_mem>>) src(%dma_wait3A_92 : memref<128x64xf32, #tpu.memory_space<vmem>>) dst(%dma_wait3A_88 : memref<128x64xf32, #tpu.memory_space<hbm>>)
    %dma_wait3A_93 = arith.constant 3 : i32
    %dma_wait3A_94 = arith.constant 0 : i32
    %dma_wait3A_95 = arith.constant 0 : i32
    %dma_wait3A_96 = tpu.memref_slice %arg7[%dma_wait3A_93, %dma_wait3A_94, %dma_wait3A_95] : memref<4x128x64xf32, #tpu.memory_space<vmem>> -> memref<1x128x64xf32, #tpu.memory_space<vmem>>
    %dma_wait3A_97 = tpu.memref_squeeze %dma_wait3A_96 : memref<1x128x64xf32, #tpu.memory_space<vmem>> -> memref<128x64xf32, #tpu.memory_space<vmem>>
    %dma_wait3A_98 = arith.constant 0 : i32
    %dma_wait3A_99 = tpu.memref_slice %arg4[%mul3A_2, %dma_wait3A_98] : memref<819200x64xf32, #tpu.memory_space<hbm>> -> memref<128x64xf32, #tpu.memory_space<hbm>>
    %dma_wait3A_100 = arith.constant 0 : i32
    %dma_wait3A_101 = tpu.memref_slice %arg4[%mul3A_2, %dma_wait3A_100] : memref<819200x64xf32, #tpu.memory_space<hbm>> -> memref<128x64xf32, #tpu.memory_space<hbm>>
    %dma_wait3A_102 = arith.constant 0 : i32
    %dma_wait3A_103 = arith.constant 0 : i32
    %dma_wait3A_104 = tpu.memref_slice %arg7[%dma_wait3A_93, %dma_wait3A_102, %dma_wait3A_103] : memref<4x128x64xf32, #tpu.memory_space<vmem>> -> memref<1x128x64xf32, #tpu.memory_space<vmem>>
    %dma_wait3A_105 = tpu.memref_squeeze %dma_wait3A_104 : memref<1x128x64xf32, #tpu.memory_space<vmem>> -> memref<128x64xf32, #tpu.memory_space<vmem>>
    tpu.wait_dma2 semaphore(%arg9 : memref<!tpu.dma_semaphore, #tpu.memory_space<semaphore_mem>>) src(%dma_wait3A_105 : memref<128x64xf32, #tpu.memory_space<vmem>>) dst(%dma_wait3A_101 : memref<128x64xf32, #tpu.memory_space<hbm>>)
    return
  }
}

</mosaic_0001>

<sc_bundles>
// kernel: kernel.3.cloned.1.call-start
scs
__scs_entry_jumppad:
0x0: {  	(pc) =	sbr.rel $0x88, $3  }
0x1: {  	(tag) =	ssettag $0x0;
	lr =	simm.s32 $0x1  }
0x2: {  	[smem:$0x3F9F] =	sst lr;
	_ =	strace $0xD0000000  }
0x3: {  	_ = 	snop  }
0x4: {  	_ = 	snop  }
0x5: {  	_ = 	snop  }
0x6: {  	_ = 	snop  }
0x7: {  	_ = 	snop  }
__scs_overlays_trampoline_lowered:
0x8: {  	[smem:$0x3FAE] =	sst s0  }
0x9: {  	[smem:$0x3FAF] =	sst s1  }
0xa: {  	[smem:$0x3FB0] =	sst s2  }
0xb: {  	[smem:$0x3FB1] =	sst s3  }
0xc: {  	[smem:$0x3FB2] =	sst s4  }
0xd: {  	[smem:$0x3FB3] =	sst s5  }
0xe: {  	[smem:$0x3FB4] =	sst s6  }
0xf: {  	[smem:$0x3FB5] =	sst s7  }
0x10: {  	[smem:$0x3FB6] =	sst s8  }
0x11: {  	[smem:$0x3FB7] =	sst s9;
	s0 =	simm.s32 @!p0 $0x0  }
0x12: {  	s1 =	sld [smem:$0x3F9D];
	s0 =	simm.s32 @p0 $0x1  }
0x13: {  	[smem:$0x3FB8] =	sst s0;
	s0 =	simm.s32 @!p1 $0x0  }
0x14: {  	s2 =	sld [smem:$0x3F9C];
	s0 =	simm.s32 @p1 $0x1  }
0x15: {  	[smem:$0x3FB9] =	sst s0;
	s0 =	simm.s32 @!p2 $0x0  }
0x16: {  	s3 =	sld [smem:$0x3FDB];
	s0 =	simm.s32 @p2 $0x1  }
0x17: {  	s4 =	simm.s32 $0x1BF5;
	[smem:$0x3FBB] =	sst s0  }
0x18: {  	s0 =	sld [smem:$0x3F9E];
	_ =	swait.ge [sflag:s4], $0x0  }
0x19: {  	s7 =	sld [smem:$0x3F9F]  }
0x1a: {  	s8 =	sadd.s32 $0xFFFFE003, lr  }
0x1b: {  	s9 =	sadd.s32 $0xFFFFFEF7, lr;
	s5 =	simm.s32 $0xFFFFFFFF;
	p2 =	slt.u32 s8, $0xFFFFF086  }
0x1c: {  	p1 =	slt.u32 s9, $0xF7A;
	s5 =	simm.s32 @!p2 $0x0  }
0x1d: {  	s5 =	simm.s32 @p1 $0x1;
	p0 =	seq.s32 s7, s2  }
0x1e: {  	s7 =	smul.u32 @!p0 $0xF7A, s2;
	p2 =	seq.s32 @!p0 s5, $0x0  }
0x1f: {  	s9 =	smul.u32 $0xF7A, s1;
	s8 =	simm.s32 @!p0 $0x1BF5;
	p2 =	por !p2, p0  }
0x20: {  	[sflag:s8] =	ssyncset.s32 @!p0 $0xFFFFF086;
	s6 =	sadd.s32 @!p0 s3, s7;
	s7 =	simm.s32 @!p0 $0x108  }
0x21: {  	s3 =	sadd.s32 s3, s9;
	s6 =	sadd.s32 @!p0 $0x88, s6;
	s7 =	simm.s32 @p2 $0x1082  }
0x22: {  	[simem:s7], [sflag:s8] =	dma.local @!p0 [hbm:s6], $0xF7A  }
0x23: {  	s9 =	sor.u32 $0xD0000000, s2;
	s6 =	simm.s32 $0x108;
	_ =	swait.ge @!p0 [sflag:s8], $0x0  }
0x24: {  	s3 =	sadd.s32 $0x88, s3;
	s6 =	simm.s32 @!p1 $0x1082;
	[sflag:s4] =	ssyncset.s32 $0xFFFFF086  }
0x25: {  	[simem:s6], [sflag:s4] =	dma.local [hbm:s3], $0xF7A  }
0x26: {  	[smem:$0x3F9F] =	sst s1;
	(tag) =	ssettag s2;
	_ =	strace s9  }
0x27: {  	s1 =	sld [smem:$0x3FAF]  }
0x28: {  	s2 =	sld [smem:$0x3FB0]  }
0x29: {  	s4 =	sld [smem:$0x3FB2]  }
0x2a: {  	p0 =	seq.s32 s5, $0x0;
	s5 =	sld [smem:$0x3FB3]  }
0x2b: {  	s6 =	sld [smem:$0x3FB4]  }
0x2c: {  	s7 =	sld [smem:$0x3FB5]  }
0x2d: {  	s3 =	simm.s32 $0x108;
	s8 =	sld [smem:$0x3FB6]  }
0x2e: {  	s3 =	simm.s32 @!p0 $0x1082;
	s9 =	sld [smem:$0x3FB7]  }
0x2f: {  	lr =	sadd.s32 s0, s3;
	s0 =	sld [smem:$0x3FAE]  }
0x30: {  	s3 =	sld [smem:$0x3FB1]  }
0x31: {  	[smem:$0x3FBA] =	sst s10  }
0x32: {  	s10 =	sld [smem:$0x3FB8];
	_ =	sdelay $0x3  }
0x33: {  	p0 =	seq.s32 s10, $0x1;
	s10 =	sld [smem:$0x3FBA];
	_ =	sdelay $0x3  }
0x34: {  	[smem:$0x3FBA] =	sst s10  }
0x35: {  	s10 =	sld [smem:$0x3FB9];
	_ =	sdelay $0x3  }
0x36: {  	p1 =	seq.s32 s10, $0x1;
	s10 =	sld [smem:$0x3FBA];
	_ =	sdelay $0x3  }
0x37: {  	[smem:$0x3FBA] =	sst s10  }
0x38: {  	s10 =	sld [smem:$0x3FBB]  }
0x39: {  	_ = 	snop;
	(pc) =	sbr.ind lr, $3  }
0x3a: {  	_ = 	snop  }
0x3b: {  	_ = 	snop  }
0x3c: {  	p2 =	seq.s32 s10, $0x1;
	s10 =	sld [smem:$0x3FBA]  }
0x3d: {  	_ =	shalt  }
0x3e: {  	_ =	shalt  }
0x3f: {  	_ =	shalt  }
0x40: {  	_ =	shalt  }
0x41: {  	_ =	shalt  }
0x42: {  	_ =	shalt  }
0x43: {  	_ =	shalt  }
0x44: {  	_ =	shalt  }
0x45: {  	_ =	shalt  }
0x46: {  	_ =	shalt  }
0x47: {  	_ =	shalt  }
0x48: {  	_ =	shalt  }
0x49: {  	_ =	shalt  }
0x4a: {  	_ =	shalt  }
0x4b: {  	_ =	shalt  }
0x4c: {  	_ =	shalt  }
0x4d: {  	_ =	shalt  }
0x4e: {  	_ =	shalt  }
0x4f: {  	_ =	shalt  }
0x50: {  	_ =	shalt  }
0x51: {  	_ =	shalt  }
0x52: {  	_ =	shalt  }
0x53: {  	_ =	shalt  }
0x54: {  	_ =	shalt  }
0x55: {  	_ =	shalt  }
0x56: {  	_ =	shalt  }
0x57: {  	_ =	shalt  }
0x58: {  	_ =	shalt  }
0x59: {  	_ =	shalt  }
0x5a: {  	_ =	shalt  }
0x5b: {  	_ =	shalt  }
0x5c: {  	_ =	shalt  }
0x5d: {  	_ =	shalt  }
0x5e: {  	_ =	shalt  }
0x5f: {  	_ =	shalt  }
0x60: {  	_ =	shalt  }
0x61: {  	_ =	shalt  }
0x62: {  	_ =	shalt  }
0x63: {  	_ =	shalt  }
0x64: {  	_ =	shalt  }
0x65: {  	_ =	shalt  }
0x66: {  	_ =	shalt  }
0x67: {  	_ =	shalt  }
0x68: {  	_ =	shalt  }
0x69: {  	_ =	shalt  }
0x6a: {  	_ =	shalt  }
0x6b: {  	_ =	shalt  }
0x6c: {  	_ =	shalt  }
0x6d: {  	_ =	shalt  }
0x6e: {  	_ =	shalt  }
0x6f: {  	_ =	shalt  }
0x70: {  	_ =	shalt  }
0x71: {  	_ =	shalt  }
0x72: {  	_ =	shalt  }
0x73: {  	_ =	shalt  }
0x74: {  	_ =	shalt  }
0x75: {  	_ =	shalt  }
0x76: {  	_ =	shalt  }
0x77: {  	_ =	shalt  }
0x78: {  	_ =	shalt  }
0x79: {  	_ =	shalt  }
0x7a: {  	_ =	shalt  }
0x7b: {  	_ =	shalt  }
0x7c: {  	_ =	shalt  }
0x7d: {  	_ =	shalt  }
0x7e: {  	_ =	shalt  }
0x7f: {  	_ =	shalt  }
0x80: {  	_ =	shalt  }
0x81: {  	_ =	shalt  }
0x82: {  	_ =	shalt  }
0x83: {  	_ =	shalt  }
0x84: {  	_ =	shalt  }
0x85: {  	_ =	shalt  }
0x86: {  	_ =	shalt  }
0x87: {  	_ =	shalt  }
.Lfunc_end0:
.L_simem_size_0:
called_computation.1_lowered:
.L_overlay_start_0:
0x88: {  	s2 =	sld [smem:$0x3FD9]  }
0x89: {  	s3 =	sld [smem:$0x3FFE];
	_ =	sdelay $0x1  }
0x8a: {  	s1 =	srdreg.scid  }
0x8b: {  	s0 =	sand.u32 $0x1, s1  }
0x8c: {  	s17 =	sshll.u32 s0, $0xA;
	s2 =	sadd.s32 s3, s2  }
0x8d: {  	s2 =	sadd.s32 s2, s17  }
0x8e: {  	[smem:$0x3FC6] =	sst s2  }
0x8f: {  	_ = 	snop  }
0x90: {  	s2 =	sld [smem:$0x3FD0];
	(tm) =	ssettm $0x1  }
0x91: {  	s18 =	sld [smem:$0x3FFB];
	_ =	sdelay $0x3  }
0x92: {  	_ =	strace s18  }
0x93: {  	s3 =	sld [smem:$0x3FFC];
	_ =	sdelay $0x3  }
0x94: {  	_ =	strace s3  }
0x95: {  	s3 =	sld [smem:$0x3FFD];
	_ =	sdelay $0x3  }
0x96: {  	_ =	strace s3  }
0x97: {  	_ =	strace $0x8FFFFFFF  }
0x98: {  	s19 =	sld [smem:$0x3FDB];
	_ =	sdelay $0x1  }
0x99: {  	s4 =	simm.s32 $_scs_section_size  }
0x9a: {  	s5 =	simm.s32 $_size__tile_overlayer_lowered;
	s6 =	simm.s32 $_tile_overlayer_lowered  }
0x9b: {  	s22 =	simm.s32 $0x1BFF;
	s21 =	sshll.u32 s6, $0x1;
	s3 =	sadd.s32 s4, s19  }
0x9c: {  	s7 =	simm.s32 $0x0;
	s20 =	sshll.u32 s5, $0x1;
	s5 =	sadd.s32 s21, s3  }
0x9d: {  	[timem:s7], [sflag:s22] =	dma.local [hbm:s5], s20  }
0x9e: {  	_ =	swait.ge [sflag:s22], s20  }
0x9f: {  	s4 =	ssub.s32 $0x0, s20;
	[sflag:s22] =	ssyncset.done $0x0  }
0xa0: {  	[sflag:s22] =	ssyncadd.s32 s4;
	_ =	sdelay $0x1  }
0xa1: {  	s23 =	simm.s32 $0x1B8B  }
0xa2: {  	_ =	swait.ge [sflag:s23], $0x1  }
0xa3: {  	[sflag:s23] =	ssyncset.done $0x0  }
0xa4: {  	s25 =	simm.s32 $0x1B8E;
	s24 =	sld [smem:$0x3FFE];
	[sflag:s23] =	ssyncadd.s32 $0xFFFFFFFF  }
0xa5: {  	s26 =	simm.s32 $execute0_lowered;
	[smem:$0x3FD2] =	sst s25  }
0xa6: {  	s5 =	sshll.u32 s26, $0x1;
	_ =	strace $0x80000046;
	[dreg:$0x1] =	wrdreg $0xFFFFFFFF  }
0xa7: {  	s28 =	simm.s32 $_size_execute0_lowered;
	s3 =	sadd.s32 s3, s5;
	[dreg:$0x0] =	wrdreg $0x0  }
0xa8: {  	s5 =	sshll.u32 s28, $0x1;
	[dreg:$0x2] =	wrdreg s3  }
0xa9: {  	[dreg:$0x3] =	wrdreg s5  }
0xaa: {  	[dreg:$0x4] =	wrdreg $0xC0  }
0xab: {  	_ =	task [dreg:s7], $0x5FFFF  }
0xac: {  	[dreg:$0x1] =	wrdreg $0xFFFFFFFF  }
0xad: {  	[dreg:$0x0] =	wrdreg $0x60  }
0xae: {  	[dreg:$0x2] =	wrdreg s24  }
0xaf: {  	[dreg:$0x3] =	wrdreg s2  }
0xb0: {  	[dreg:$0x4] =	wrdreg $0x9  }
0xb1: {  	_ =	task.clear_ibuf [dreg:s7], $0x5FFFF;
	_ =	strace $0x90000046  }
0xb2: {  	s29 =	simm.s32 $0x9;
	_ =	strace $0x80000048  }
0xb3: {  	_ =	swait.ge [sflag:s29], $0x1  }
0xb4: {  	[sflag:s29] =	ssyncadd.s32 $0xFFFFFFFF  }
0xb5: {  	_ =	strace $0x90000048  }
0xb6: {  	_ =	sfence  }
0xb7: {  	s30 =	sld [smem:$0x0];
	_ =	sdelay $0x2  }
0xb8: {  	s31 =	sshll.u32 s1, $0xD;
	s1 =	sshrl.u32 s1, $0x2  }
0xb9: {  	s3 =	sand.u32 $0x4000, s31;
	s1 =	sadd.s32 s1, s30  }
0xba: {  	s0 =	sor.u32 s3, s0;
	s1 =	sshll.u32 s1, $0x11  }
0xbb: {  	s0 =	sor.u32 s1, s0  }
0xbc: {  	s0 =	sadd.s32 $0x8F2B, s0  }
0xbd: {  	[sflag:s0] =	ssyncadd.remote.s32 $0x1  }
0xbe: {  	_ =	sfence.sel $0xFFFF  }
0xbf: {  	[dreg:$0x0] =	wrdreg $0xFFFFFFFF;
	(pc) =	sbr.abs _section_cstart, $3  }
0xc0: {  	[dreg:$0x1] =	wrdreg $0xFFFFFFFF  }
0xc1: {  	_ =	task.clear_ibuf [dreg:s7], $0x2FFFF;
	_ =	strace $0x9FFFFFFF  }
0xc2: {  	(tm) =	ssettm $0x7FFFFFFF  }
0xc3: {  	_ =	shalt  }
tec
execute0_lowered:
.L_overlay_start_1:
0x0: {  	(tag) =	ssettag $0x1  }
0x1: {  	s1 =	srdreg.scid  }
0x2: {  	s0 =	stileid.u32;
	s4 =	rddreg [dreg:$0x0]  }
0x3: {  	s2 =	rddreg [dreg:$0x1];
	s11 =	simm.s32 $0x3;
	s12 =	simm.s32 $0x80  }
0x4: {  	s13 =	simm.s32 $0x6400;
	s14 =	simm.s32 $0x8400;
	s15 =	simm.s32 $0x100  }
0x5: {  	s16 =	simm.s32 $0xA400;
	s17 =	simm.s32 $0x180;
	s18 =	simm.s32 $0xC400  }
0x6: {  	s19 =	simm.s32 $0x1;
	s20 =	simm.s32 $0xE400;
	s21 =	simm.s32 $0x2  }
0x7: {  	s22 =	simm.s32 $0x10400;
	s1 =	sand.u32 $0x1, s1;
	s3 =	sshll.u32 s0, $0x1  }
0x8: {  	s23 =	simm.s32 $0x12400;
	s24 =	simm.s32 $0x14400;
	s6 =	sor.u32 s1, s3  }
0x9: {  	s25 =	simm.s32 $0x0;
	s3 =	simm.s32 $0x0;
	s9 =	smul.u32 $0x6400, s6  }
.Ltmp0:
0xa: {  	s1 =	ssub.s32 $0x2, s1;
	[smem:$0x7FF] =	sst s3;
	(pc) =	sbr.rel .LBB2_1-.Ltmp0, $4  }
0xb: {  	s7 =	sshrl.u32 s1, $0x1;
	s6 =	smul.u32 $0x190000, s6;
	_ =	strace $0x80000047  }
0xc: {  	s1 =	ssub.s32 s1, s7;
	s5 =	sshrl.u32 s9, $0x3;
	s7 =	sor.u32 $0x80, s9  }
0xd: {  	s8 =	sor.u32 $0x100, s9;
	s9 =	sor.u32 $0x180, s9;
	s5 =	sadd.s32 s5, s4  }
0xe: {  	s10 =	smax.u32 s1, $0x1;
	s4 =	sadd.s32 $0xF42E00, s4;
	s5 =	sadd.s32 $0xA00, s5  }
.LBB2_24:
0xf: {  	_ =	swait.ge [sflag:s21], $0x2000  }
0x10: {  	[sflag:s21] =	ssyncset.done $0x0  }
0x11: {  	[sflag:s21] =	ssyncadd.s32 $0xFFFFE000  }
0x12: {  	_ =	swait.ge [sflag:s21], $0x2000  }
0x13: {  	[sflag:s21] =	ssyncset.done $0x0  }
0x14: {  	s25 =	sadd.s32 $0x1, s25;
	[sflag:s21] =	ssyncadd.s32 $0xFFFFE000  }
0x15: {  	p0 =	sne.s32 s25, s10;
	_ =	swait.ge [sflag:s21], $0x2000  }
.Ltmp1:
0x16: {  	[sflag:s21] =	ssyncset.done $0x0;
	(pc) =	sbr.rel @!p0 .LBB2_25-.Ltmp1, $4  }
0x17: {  	[sflag:s21] =	ssyncadd.s32 $0xFFFFE000  }
0x18: {  	_ =	swait.ge [sflag:s21], $0x2000  }
0x19: {  	[sflag:s21] =	ssyncset.done $0x0  }
0x1a: {  	[sflag:s21] =	ssyncadd.s32 $0xFFFFE000  }
.LBB2_1:
0x1b: {  	[tilespmem:s3], [sflag:$0x3] =	stream.linear.gather [hbm4b:s5+s3], $0x6400, $0x38;
	[tilespmem:$0x16400] =	vst v63  }
0x1c: {  	_ =	swait.ge [sflag:s11], $0x6400  }
0x1d: {  	[sflag:s11] =	ssyncset.done $0x0  }
0x1e: {  	[sflag:s11] =	ssyncadd.s32 $0xFFFF9C00  }
0x1f: {  	[tilespmem:s13], [sflag:$0x1] =	stream.indirect.gather [hbm4b:s4+s12], $0x40, s3, s12, $0xb8;
	[tilespmem:$0x16400] =	vst v63  }
0x20: {  	_ = 	snop  }
0x21: {  	[tilespmem:s14], [sflag:$0x1] =	stream.indirect.gather [hbm4b:s4+s12], $0x40, s12, s12, $0xb8;
	[tilespmem:$0x16400] =	vst v63  }
0x22: {  	_ = 	snop  }
0x23: {  	[tilespmem:s16], [sflag:$0x1] =	stream.indirect.gather [hbm4b:s4+s12], $0x40, s15, s12, $0xb8;
	[tilespmem:$0x16400] =	vst v63  }
0x24: {  	s26 =	simm.s32 $0x0  }
0x25: {  	[tilespmem:s18], [sflag:$0x1] =	stream.indirect.gather [hbm4b:s4+s12], $0x40, s17, s12, $0xb8;
	[tilespmem:$0x16400] =	vst v63  }
.LBB2_2:
0x26: {  	_ =	swait.ge [sflag:s19], $0x2000  }
0x27: {  	p0 =	seq.s32 s26, $0x0;
	[sflag:s19] =	ssyncset.done $0x0  }
0x28: {  	s1 =	simm.s32 @!p0 $0x2;
	[sflag:s19] =	ssyncadd.s32 $0xFFFFE000  }
0x29: {  	_ =	swait.ge @!p0 [sflag:s1], $0x2000  }
0x2a: {  	[sflag:s1] =	ssyncset.done @!p0 $0x0  }
0x2b: {  	s31 =	simm.s32 $0x6500;
	[sflag:s1] =	ssyncadd.s32 @!p0 $0xFFFFE000  }
0x2c: {  	v0 =	vld [tilespmem:s31+$0xC0]  }
0x2d: {  	v1 =	vld [tilespmem:s31+$0xFFFFFF40]  }
0x2e: {  	v2 =	vld [tilespmem:s31+$0xFFFFFF80]  }
0x2f: {  	v3 =	vld [tilespmem:s31+$0xFFFFFFC0]  }
0x30: {  	v4 =	vld [tilespmem:s31+$0x0]  }
0x31: {  	v5 =	vld [tilespmem:s31+$0x40];
	v0 =	vmul.f32 $8.000000000e+00, v0  }
0x32: {  	s29 =	simm.s32 $0xE500;
	v6 =	vld [tilespmem:s31+$0x80];
	v1 =	vmul.f32 $8.000000000e+00, v1  }
0x33: {  	v7 =	vld [tilespmem:s31+$0xFFFFFF00];
	v2 =	vmul.f32 $8.000000000e+00, v2;
	[tilespmem:s29+$0xC0] =	vst v0  }
0x34: {  	[tilespmem:s29+$0xFFFFFF40] =	vst v1;
	v0 =	vmul.f32 $8.000000000e+00, v3;
	v1 =	vld [tilespmem:s31+$0xD0]  }
0x35: {  	[tilespmem:s29+$0xFFFFFF80] =	vst v2;
	v2 =	vmul.f32 $8.000000000e+00, v4;
	v3 =	vld [tilespmem:s31+$0xFFFFFF50]  }
0x36: {  	v4 =	vld [tilespmem:s31+$0xFFFFFF90];
	[tilespmem:s29+$0xFFFFFFC0] =	vst v0;
	v0 =	vmul.f32 $8.000000000e+00, v5  }
0x37: {  	[tilespmem:s29+$0x0] =	vst v2;
	v2 =	vmul.f32 $8.000000000e+00, v6;
	v5 =	vld [tilespmem:s31+$0xFFFFFFD0]  }
0x38: {  	v6 =	vmul.f32 $8.000000000e+00, v7;
	v7 =	vld [tilespmem:s31+$0x10];
	[tilespmem:s29+$0x40] =	vst v0  }
0x39: {  	[tilespmem:s29+$0x80] =	vst v2;
	v0 =	vld [tilespmem:s31+$0x50];
	v1 =	vmul.f32 $8.000000000e+00, v1  }
0x3a: {  	[tilespmem:s29+$0xFFFFFF00] =	vst v6;
	v2 =	vmul.f32 $8.000000000e+00, v3;
	v3 =	vld [tilespmem:s31+$0x90]  }
0x3b: {  	v6 =	vld [tilespmem:s31+$0xFFFFFF10];
	v4 =	vmul.f32 $8.000000000e+00, v4;
	[tilespmem:s29+$0xD0] =	vst v1  }
0x3c: {  	[tilespmem:s29+$0xFFFFFF50] =	vst v2;
	v1 =	vmul.f32 $8.000000000e+00, v5;
	v2 =	vld [tilespmem:s31+$0xE0]  }
0x3d: {  	[tilespmem:s29+$0xFFFFFF90] =	vst v4;
	v4 =	vmul.f32 $8.000000000e+00, v7;
	v5 =	vld [tilespmem:s31+$0xFFFFFF60]  }
0x3e: {  	v7 =	vld [tilespmem:s31+$0xFFFFFFA0];
	[tilespmem:s29+$0xFFFFFFD0] =	vst v1;
	v0 =	vmul.f32 $8.000000000e+00, v0  }
0x3f: {  	[tilespmem:s29+$0x10] =	vst v4;
	v1 =	vld [tilespmem:s31+$0xFFFFFFE0];
	v3 =	vmul.f32 $8.000000000e+00, v3  }
0x40: {  	v4 =	vmul.f32 $8.000000000e+00, v6;
	v6 =	vld [tilespmem:s31+$0x20];
	[tilespmem:s29+$0x50] =	vst v0  }
0x41: {  	v0 =	vld [tilespmem:s31+$0x60];
	[tilespmem:s29+$0x90] =	vst v3;
	v2 =	vmul.f32 $8.000000000e+00, v2  }
0x42: {  	[tilespmem:s29+$0xFFFFFF10] =	vst v4;
	v3 =	vmul.f32 $8.000000000e+00, v5;
	v4 =	vld [tilespmem:s31+$0xA0]  }
0x43: {  	v5 =	vld [tilespmem:s31+$0xFFFFFF20];
	v7 =	vmul.f32 $8.000000000e+00, v7;
	[tilespmem:s29+$0xE0] =	vst v2  }
0x44: {  	[tilespmem:s29+$0xFFFFFF60] =	vst v3;
	v1 =	vmul.f32 $8.000000000e+00, v1;
	v3 =	vld [tilespmem:s31+$0xF0]  }
0x45: {  	[tilespmem:s29+$0xFFFFFFA0] =	vst v7;
	v2 =	vmul.f32 $8.000000000e+00, v6;
	v8 =	vld [tilespmem:s31+$0xFFFFFF70]  }
0x46: {  	v7 =	vld [tilespmem:s31+$0xFFFFFFB0];
	[tilespmem:s29+$0xFFFFFFE0] =	vst v1;
	v1 =	vmul.f32 $8.000000000e+00, v0  }
0x47: {  	[tilespmem:s29+$0x20] =	vst v2;
	v0 =	vld [tilespmem:s31+$0xFFFFFFF0];
	v4 =	vmul.f32 $8.000000000e+00, v4  }
0x48: {  	v5 =	vmul.f32 $8.000000000e+00, v5;
	v2 =	vld [tilespmem:s31+$0x30];
	[tilespmem:s29+$0x60] =	vst v1  }
0x49: {  	v1 =	vld [tilespmem:s31+$0x70];
	[tilespmem:s29+$0xA0] =	vst v4;
	v9 =	vmul.f32 $8.000000000e+00, v3  }
0x4a: {  	[tilespmem:s29+$0xFFFFFF20] =	vst v5;
	v3 =	vld [tilespmem:s31+$0xB0];
	v6 =	vmul.f32 $8.000000000e+00, v8  }
0x4b: {  	s28 =	sshll.u32 s26, $0xB;
	s30 =	simm.s32 $0x0;
	s1 =	simm.s32 $0x6700;
	v4 =	vld [tilespmem:s31+$0xFFFFFF30];
	v5 =	vmul.f32 $8.000000000e+00, v7;
	[tilespmem:s29+$0xF0] =	vst v9  }
.LBB2_3:
0x4c: {  	v7 =	vld [tilespmem:s1+$0xC0];
	s30 =	sadd.s32 $0x8, s30;
	[tilespmem:s29+$0xFFFFFF70] =	vst v6;
	v0 =	vmul.f32 $8.000000000e+00, v0  }
0x4d: {  	v6 =	vld [tilespmem:s1+$0xFFFFFF40];
	p1 =	slt.u32 s30, $0x78;
	[tilespmem:s29+$0xFFFFFFB0] =	vst v5;
	v2 =	vmul.f32 $8.000000000e+00, v2  }
0x4e: {  	v5 =	vld [tilespmem:s1+$0xFFFFFF80];
	[tilespmem:s29+$0xFFFFFFF0] =	vst v0;
	v0 =	vmul.f32 $8.000000000e+00, v1  }
0x4f: {  	v1 =	vld [tilespmem:s1+$0xFFFFFFC0];
	[tilespmem:s29+$0x30] =	vst v2;
	v2 =	vmul.f32 $8.000000000e+00, v3  }
0x50: {  	v3 =	vld [tilespmem:s1+$0x0];
	v4 =	vmul.f32 $8.000000000e+00, v4;
	[tilespmem:s29+$0x70] =	vst v0  }
0x51: {  	v0 =	vld [tilespmem:s1+$0x40];
	v7 =	vmul.f32 $8.000000000e+00, v7;
	[tilespmem:s29+$0xB0] =	vst v2  }
0x52: {  	v2 =	vmul.f32 $8.000000000e+00, v6;
	v6 =	vld [tilespmem:s1+$0x80];
	[tilespmem:s29+$0xFFFFFF30] =	vst v4;
	s29 =	sadd.s32 $0x200, s29  }
0x53: {  	v4 =	vld [tilespmem:s1+$0xFFFFFF00];
	v5 =	vmul.f32 $8.000000000e+00, v5;
	[tilespmem:s29+$0xC0] =	vst v7  }
0x54: {  	[tilespmem:s29+$0xFFFFFF40] =	vst v2;
	v1 =	vmul.f32 $8.000000000e+00, v1;
	v2 =	vld [tilespmem:s1+$0xD0]  }
0x55: {  	v7 =	vld [tilespmem:s1+$0xFFFFFF50];
	[tilespmem:s29+$0xFFFFFF80] =	vst v5;
	v3 =	vmul.f32 $8.000000000e+00, v3  }
0x56: {  	v5 =	vld [tilespmem:s1+$0xFFFFFF90];
	[tilespmem:s29+$0xFFFFFFC0] =	vst v1;
	v0 =	vmul.f32 $8.000000000e+00, v0  }
0x57: {  	v1 =	vld [tilespmem:s1+$0xFFFFFFD0];
	[tilespmem:s29+$0x0] =	vst v3;
	v3 =	vmul.f32 $8.000000000e+00, v6  }
0x58: {  	v4 =	vmul.f32 $8.000000000e+00, v4;
	v6 =	vld [tilespmem:s1+$0x10];
	[tilespmem:s29+$0x40] =	vst v0  }
0x59: {  	v0 =	vld [tilespmem:s1+$0x50];
	[tilespmem:s29+$0x80] =	vst v3;
	v2 =	vmul.f32 $8.000000000e+00, v2  }
0x5a: {  	[tilespmem:s29+$0xFFFFFF00] =	vst v4;
	v3 =	vmul.f32 $8.000000000e+00, v7;
	v4 =	vld [tilespmem:s1+$0x90]  }
0x5b: {  	v7 =	vld [tilespmem:s1+$0xFFFFFF10];
	v5 =	vmul.f32 $8.000000000e+00, v5;
	[tilespmem:s29+$0xD0] =	vst v2  }
0x5c: {  	[tilespmem:s29+$0xFFFFFF50] =	vst v3;
	v1 =	vmul.f32 $8.000000000e+00, v1;
	v2 =	vld [tilespmem:s1+$0xE0]  }
0x5d: {  	v3 =	vld [tilespmem:s1+$0xFFFFFF60];
	[tilespmem:s29+$0xFFFFFF90] =	vst v5;
	v5 =	vmul.f32 $8.000000000e+00, v6  }
0x5e: {  	v6 =	vld [tilespmem:s1+$0xFFFFFFA0];
	[tilespmem:s29+$0xFFFFFFD0] =	vst v1;
	v0 =	vmul.f32 $8.000000000e+00, v0  }
0x5f: {  	v1 =	vld [tilespmem:s1+$0xFFFFFFE0];
	[tilespmem:s29+$0x10] =	vst v5;
	v4 =	vmul.f32 $8.000000000e+00, v4  }
0x60: {  	v5 =	vmul.f32 $8.000000000e+00, v7;
	v7 =	vld [tilespmem:s1+$0x20];
	[tilespmem:s29+$0x50] =	vst v0  }
0x61: {  	v0 =	vld [tilespmem:s1+$0x60];
	[tilespmem:s29+$0x90] =	vst v4;
	v2 =	vmul.f32 $8.000000000e+00, v2  }
0x62: {  	[tilespmem:s29+$0xFFFFFF10] =	vst v5;
	v3 =	vmul.f32 $8.000000000e+00, v3;
	v4 =	vld [tilespmem:s1+$0xA0]  }
0x63: {  	v5 =	vld [tilespmem:s1+$0xFFFFFF20];
	v6 =	vmul.f32 $8.000000000e+00, v6;
	[tilespmem:s29+$0xE0] =	vst v2  }
0x64: {  	[tilespmem:s29+$0xFFFFFF60] =	vst v3;
	v1 =	vmul.f32 $8.000000000e+00, v1;
	v3 =	vld [tilespmem:s1+$0xF0]  }
0x65: {  	v8 =	vld [tilespmem:s1+$0xFFFFFF70];
	[tilespmem:s29+$0xFFFFFFA0] =	vst v6;
	v2 =	vmul.f32 $8.000000000e+00, v7  }
0x66: {  	v7 =	vld [tilespmem:s1+$0xFFFFFFB0];
	[tilespmem:s29+$0xFFFFFFE0] =	vst v1;
	v1 =	vmul.f32 $8.000000000e+00, v0  }
.Ltmp2:
0x67: {  	v0 =	vld [tilespmem:s1+$0xFFFFFFF0];
	[tilespmem:s29+$0x20] =	vst v2;
	v4 =	vmul.f32 $8.000000000e+00, v4;
	(pc) =	sbr.rel @p1 .LBB2_3-.Ltmp2, $4  }
0x68: {  	v5 =	vmul.f32 $8.000000000e+00, v5;
	v2 =	vld [tilespmem:s1+$0x30];
	[tilespmem:s29+$0x60] =	vst v1  }
0x69: {  	v1 =	vld [tilespmem:s1+$0x70];
	[tilespmem:s29+$0xA0] =	vst v4;
	v9 =	vmul.f32 $8.000000000e+00, v3  }
0x6a: {  	[tilespmem:s29+$0xFFFFFF20] =	vst v5;
	v6 =	vmul.f32 $8.000000000e+00, v8;
	v3 =	vld [tilespmem:s1+$0xB0]  }
0x6b: {  	v4 =	vld [tilespmem:s1+$0xFFFFFF30];
	v5 =	vmul.f32 $8.000000000e+00, v7;
	[tilespmem:s29+$0xF0] =	vst v9;
	s1 =	sadd.s32 $0x200, s1  }
0x6c: {  	[tilespmem:s29+$0xFFFFFF70] =	vst v6;
	v0 =	vmul.f32 $8.000000000e+00, v0  }
0x6d: {  	[tilespmem:s29+$0xFFFFFFB0] =	vst v5;
	v2 =	vmul.f32 $8.000000000e+00, v2  }
0x6e: {  	p1 =	sne.s32 s26, $0x31;
	[tilespmem:s29+$0xFFFFFFF0] =	vst v0;
	v61 =	vmul.f32 $8.000000000e+00, v1  }
.Ltmp3:
0x6f: {  	s1 =	sshll.u32 s26, $0xF;
	[tilespmem:s29+$0x30] =	vst v2;
	v62 =	vmul.f32 $8.000000000e+00, v3;
	(pc) =	sbr.rel @p1 .LBB2_6-.Ltmp3, $4  }
0x70: {  	s1 =	sadd.s32 s6, s1;
	v63 =	vmul.f32 $8.000000000e+00, v4;
	[tilespmem:s29+$0x70] =	vst v61  }
0x71: {  	s1 =	sshrl.u32 s1, $0x3;
	[tilespmem:s29+$0xB0] =	vst v62  }
0x72: {  	s1 =	sadd.s32 s2, s1;
	[tilespmem:s29+$0xFFFFFF30] =	vst v63  }
0x73: {  	[hbm4b:s1+s3] =	stream.linear.scatter [tilespmem:s20], [sflag:$0x2], $0x2000, $0x38;
	[tilespmem:$0x16400] =	vst v63  }
.Ltmp4:
0x74: {  	(pc) =	sbr.rel .LBB2_7-.Ltmp4, $4  }
0x75: {  	_ = 	snop  }
0x76: {  	_ =	swait.ge [sflag:s19], $0x2000  }
0x77: {  	[sflag:s19] =	ssyncset.done $0x0  }
0x78: {  	[sflag:s19] =	ssyncadd.s32 $0xFFFFE000  }
.LBB2_6:
0x79: {  	s1 =	sshrl.u32 s28, $0x2  }
.Ltmp5:
0x7a: {  	s1 =	sadd.s32 $0x200, s1;
	(pc) =	sbr.rel @p0 .LBB2_8-.Ltmp5, $4  }
0x7b: {  	[tilespmem:s13], [sflag:$0x1] =	stream.indirect.gather [hbm4b:s4+s12], $0x40, s1, s12, $0xb8;
	[tilespmem:$0x16400] =	vst v63  }
0x7c: {  	_ =	swait.ge [sflag:s19], $0x2000  }
0x7d: {  	[sflag:s19] =	ssyncset.done $0x0  }
0x7e: {  	[sflag:s19] =	ssyncadd.s32 $0xFFFFE000  }
.LBB2_7:
0x7f: {  	_ =	swait.ge [sflag:s21], $0x2000  }
0x80: {  	[sflag:s21] =	ssyncset.done $0x0  }
0x81: {  	[sflag:s21] =	ssyncadd.s32 $0xFFFFE000  }
.LBB2_8:
0x82: {  	s1 =	simm.s32 $0x85F0  }
0x83: {  	v0 =	vld [tilespmem:s1+$0xFFFFFFD0]  }
0x84: {  	v1 =	vld [tilespmem:s1+$0xFFFFFE50]  }
0x85: {  	v2 =	vld [tilespmem:s1+$0xFFFFFE90]  }
0x86: {  	v3 =	vld [tilespmem:s1+$0xFFFFFED0]  }
0x87: {  	v4 =	vld [tilespmem:s1+$0xFFFFFF10]  }
0x88: {  	v5 =	vld [tilespmem:s1+$0xFFFFFF50];
	v0 =	vmul.f32 $8.000000000e+00, v0  }
0x89: {  	s30 =	simm.s32 $0x105F0;
	v6 =	vld [tilespmem:s1+$0xFFFFFF90];
	v1 =	vmul.f32 $8.000000000e+00, v1  }
0x8a: {  	v7 =	vld [tilespmem:s1+$0xFFFFFE10];
	v2 =	vmul.f32 $8.000000000e+00, v2;
	[tilespmem:s30+$0xFFFFFFD0] =	vst v0  }
0x8b: {  	[tilespmem:s30+$0xFFFFFE50] =	vst v1;
	v0 =	vmul.f32 $8.000000000e+00, v3;
	v1 =	vld [tilespmem:s1+$0xFFFFFFE0]  }
0x8c: {  	[tilespmem:s30+$0xFFFFFE90] =	vst v2;
	v2 =	vmul.f32 $8.000000000e+00, v4;
	v3 =	vld [tilespmem:s1+$0xFFFFFE60]  }
0x8d: {  	v4 =	vld [tilespmem:s1+$0xFFFFFEA0];
	[tilespmem:s30+$0xFFFFFED0] =	vst v0;
	v0 =	vmul.f32 $8.000000000e+00, v5  }
0x8e: {  	[tilespmem:s30+$0xFFFFFF10] =	vst v2;
	v2 =	vmul.f32 $8.000000000e+00, v6;
	v5 =	vld [tilespmem:s1+$0xFFFFFEE0]  }
0x8f: {  	v6 =	vmul.f32 $8.000000000e+00, v7;
	v7 =	vld [tilespmem:s1+$0xFFFFFF20];
	[tilespmem:s30+$0xFFFFFF50] =	vst v0  }
0x90: {  	[tilespmem:s30+$0xFFFFFF90] =	vst v2;
	v0 =	vld [tilespmem:s1+$0xFFFFFF60];
	v1 =	vmul.f32 $8.000000000e+00, v1  }
0x91: {  	[tilespmem:s30+$0xFFFFFE10] =	vst v6;
	v2 =	vmul.f32 $8.000000000e+00, v3;
	v3 =	vld [tilespmem:s1+$0xFFFFFFA0]  }
0x92: {  	v6 =	vld [tilespmem:s1+$0xFFFFFE20];
	v4 =	vmul.f32 $8.000000000e+00, v4;
	[tilespmem:s30+$0xFFFFFFE0] =	vst v1  }
0x93: {  	[tilespmem:s30+$0xFFFFFE60] =	vst v2;
	v1 =	vmul.f32 $8.000000000e+00, v5;
	v2 =	vld [tilespmem:s1+$0xFFFFFFF0]  }
0x94: {  	[tilespmem:s30+$0xFFFFFEA0] =	vst v4;
	v4 =	vmul.f32 $8.000000000e+00, v7;
	v5 =	vld [tilespmem:s1+$0xFFFFFE70]  }
0x95: {  	v7 =	vld [tilespmem:s1+$0xFFFFFEB0];
	[tilespmem:s30+$0xFFFFFEE0] =	vst v1;
	v0 =	vmul.f32 $8.000000000e+00, v0  }
0x96: {  	[tilespmem:s30+$0xFFFFFF20] =	vst v4;
	v1 =	vld [tilespmem:s1+$0xFFFFFEF0];
	v3 =	vmul.f32 $8.000000000e+00, v3  }
0x97: {  	v4 =	vmul.f32 $8.000000000e+00, v6;
	v6 =	vld [tilespmem:s1+$0xFFFFFF30];
	[tilespmem:s30+$0xFFFFFF60] =	vst v0  }
0x98: {  	v0 =	vld [tilespmem:s1+$0xFFFFFF70];
	[tilespmem:s30+$0xFFFFFFA0] =	vst v3;
	v2 =	vmul.f32 $8.000000000e+00, v2  }
0x99: {  	[tilespmem:s30+$0xFFFFFE20] =	vst v4;
	v3 =	vmul.f32 $8.000000000e+00, v5;
	v4 =	vld [tilespmem:s1+$0xFFFFFFB0]  }
0x9a: {  	v5 =	vld [tilespmem:s1+$0xFFFFFE30];
	v7 =	vmul.f32 $8.000000000e+00, v7;
	[tilespmem:s30+$0xFFFFFFF0] =	vst v2  }
0x9b: {  	[tilespmem:s30+$0xFFFFFE70] =	vst v3;
	v1 =	vmul.f32 $8.000000000e+00, v1;
	v3 =	vld [tilespmem:s1+$0x0]  }
0x9c: {  	[tilespmem:s30+$0xFFFFFEB0] =	vst v7;
	v2 =	vmul.f32 $8.000000000e+00, v6;
	v8 =	vld [tilespmem:s1+$0xFFFFFE80]  }
0x9d: {  	v7 =	vld [tilespmem:s1+$0xFFFFFEC0];
	[tilespmem:s30+$0xFFFFFEF0] =	vst v1;
	v1 =	vmul.f32 $8.000000000e+00, v0  }
0x9e: {  	[tilespmem:s30+$0xFFFFFF30] =	vst v2;
	v0 =	vld [tilespmem:s1+$0xFFFFFF00];
	v4 =	vmul.f32 $8.000000000e+00, v4  }
0x9f: {  	v5 =	vmul.f32 $8.000000000e+00, v5;
	v2 =	vld [tilespmem:s1+$0xFFFFFF40];
	[tilespmem:s30+$0xFFFFFF70] =	vst v1  }
0xa0: {  	v1 =	vld [tilespmem:s1+$0xFFFFFF80];
	[tilespmem:s30+$0xFFFFFFB0] =	vst v4;
	v9 =	vmul.f32 $8.000000000e+00, v3  }
0xa1: {  	[tilespmem:s30+$0xFFFFFE30] =	vst v5;
	v3 =	vld [tilespmem:s1+$0xFFFFFFC0];
	v6 =	vmul.f32 $8.000000000e+00, v8  }
0xa2: {  	s29 =	simm.s32 $0x0;
	v4 =	vld [tilespmem:s1+$0xFFFFFE40];
	v5 =	vmul.f32 $8.000000000e+00, v7;
	s1 =	simm.s32 $0x87F0;
	[tilespmem:s30+$0x0] =	vst v9  }
.LBB2_9:
0xa3: {  	v7 =	vld [tilespmem:s1+$0xFFFFFFD0];
	s29 =	sadd.s32 $0x8, s29;
	[tilespmem:s30+$0xFFFFFE80] =	vst v6;
	v0 =	vmul.f32 $8.000000000e+00, v0  }
0xa4: {  	v6 =	vld [tilespmem:s1+$0xFFFFFE50];
	p2 =	slt.u32 s29, $0x78;
	[tilespmem:s30+$0xFFFFFEC0] =	vst v5;
	v2 =	vmul.f32 $8.000000000e+00, v2  }
0xa5: {  	v5 =	vld [tilespmem:s1+$0xFFFFFE90];
	[tilespmem:s30+$0xFFFFFF00] =	vst v0;
	v0 =	vmul.f32 $8.000000000e+00, v1  }
0xa6: {  	v1 =	vld [tilespmem:s1+$0xFFFFFED0];
	[tilespmem:s30+$0xFFFFFF40] =	vst v2;
	v2 =	vmul.f32 $8.000000000e+00, v3  }
0xa7: {  	v3 =	vld [tilespmem:s1+$0xFFFFFF10];
	v4 =	vmul.f32 $8.000000000e+00, v4;
	[tilespmem:s30+$0xFFFFFF80] =	vst v0  }
0xa8: {  	v0 =	vld [tilespmem:s1+$0xFFFFFF50];
	v7 =	vmul.f32 $8.000000000e+00, v7;
	[tilespmem:s30+$0xFFFFFFC0] =	vst v2  }
0xa9: {  	v2 =	vmul.f32 $8.000000000e+00, v6;
	v6 =	vld [tilespmem:s1+$0xFFFFFF90];
	[tilespmem:s30+$0xFFFFFE40] =	vst v4;
	s30 =	sadd.s32 $0x200, s30  }
0xaa: {  	v4 =	vld [tilespmem:s1+$0xFFFFFE10];
	v5 =	vmul.f32 $8.000000000e+00, v5;
	[tilespmem:s30+$0xFFFFFFD0] =	vst v7  }
0xab: {  	[tilespmem:s30+$0xFFFFFE50] =	vst v2;
	v1 =	vmul.f32 $8.000000000e+00, v1;
	v2 =	vld [tilespmem:s1+$0xFFFFFFE0]  }
0xac: {  	v7 =	vld [tilespmem:s1+$0xFFFFFE60];
	[tilespmem:s30+$0xFFFFFE90] =	vst v5;
	v3 =	vmul.f32 $8.000000000e+00, v3  }
0xad: {  	v5 =	vld [tilespmem:s1+$0xFFFFFEA0];
	[tilespmem:s30+$0xFFFFFED0] =	vst v1;
	v0 =	vmul.f32 $8.000000000e+00, v0  }
0xae: {  	v1 =	vld [tilespmem:s1+$0xFFFFFEE0];
	[tilespmem:s30+$0xFFFFFF10] =	vst v3;
	v3 =	vmul.f32 $8.000000000e+00, v6  }
0xaf: {  	v4 =	vmul.f32 $8.000000000e+00, v4;
	v6 =	vld [tilespmem:s1+$0xFFFFFF20];
	[tilespmem:s30+$0xFFFFFF50] =	vst v0  }
0xb0: {  	v0 =	vld [tilespmem:s1+$0xFFFFFF60];
	[tilespmem:s30+$0xFFFFFF90] =	vst v3;
	v2 =	vmul.f32 $8.000000000e+00, v2  }
0xb1: {  	[tilespmem:s30+$0xFFFFFE10] =	vst v4;
	v3 =	vmul.f32 $8.000000000e+00, v7;
	v4 =	vld [tilespmem:s1+$0xFFFFFFA0]  }
0xb2: {  	v7 =	vld [tilespmem:s1+$0xFFFFFE20];
	v5 =	vmul.f32 $8.000000000e+00, v5;
	[tilespmem:s30+$0xFFFFFFE0] =	vst v2  }
0xb3: {  	[tilespmem:s30+$0xFFFFFE60] =	vst v3;
	v1 =	vmul.f32 $8.000000000e+00, v1;
	v2 =	vld [tilespmem:s1+$0xFFFFFFF0]  }
0xb4: {  	v3 =	vld [tilespmem:s1+$0xFFFFFE70];
	[tilespmem:s30+$0xFFFFFEA0] =	vst v5;
	v5 =	vmul.f32 $8.000000000e+00, v6  }
0xb5: {  	v6 =	vld [tilespmem:s1+$0xFFFFFEB0];
	[tilespmem:s30+$0xFFFFFEE0] =	vst v1;
	v0 =	vmul.f32 $8.000000000e+00, v0  }
0xb6: {  	v1 =	vld [tilespmem:s1+$0xFFFFFEF0];
	[tilespmem:s30+$0xFFFFFF20] =	vst v5;
	v4 =	vmul.f32 $8.000000000e+00, v4  }
0xb7: {  	v5 =	vmul.f32 $8.000000000e+00, v7;
	v7 =	vld [tilespmem:s1+$0xFFFFFF30];
	[tilespmem:s30+$0xFFFFFF60] =	vst v0  }
0xb8: {  	v0 =	vld [tilespmem:s1+$0xFFFFFF70];
	[tilespmem:s30+$0xFFFFFFA0] =	vst v4;
	v2 =	vmul.f32 $8.000000000e+00, v2  }
0xb9: {  	[tilespmem:s30+$0xFFFFFE20] =	vst v5;
	v3 =	vmul.f32 $8.000000000e+00, v3;
	v4 =	vld [tilespmem:s1+$0xFFFFFFB0]  }
0xba: {  	v5 =	vld [tilespmem:s1+$0xFFFFFE30];
	v6 =	vmul.f32 $8.000000000e+00, v6;
	[tilespmem:s30+$0xFFFFFFF0] =	vst v2  }
0xbb: {  	[tilespmem:s30+$0xFFFFFE70] =	vst v3;
	v1 =	vmul.f32 $8.000000000e+00, v1;
	v3 =	vld [tilespmem:s1+$0x0]  }
0xbc: {  	v8 =	vld [tilespmem:s1+$0xFFFFFE80];
	[tilespmem:s30+$0xFFFFFEB0] =	vst v6;
	v2 =	vmul.f32 $8.000000000e+00, v7  }
0xbd: {  	v7 =	vld [tilespmem:s1+$0xFFFFFEC0];
	[tilespmem:s30+$0xFFFFFEF0] =	vst v1;
	v1 =	vmul.f32 $8.000000000e+00, v0  }
.Ltmp6:
0xbe: {  	v0 =	vld [tilespmem:s1+$0xFFFFFF00];
	[tilespmem:s30+$0xFFFFFF30] =	vst v2;
	v4 =	vmul.f32 $8.000000000e+00, v4;
	(pc) =	sbr.rel @p2 .LBB2_9-.Ltmp6, $4  }
0xbf: {  	v5 =	vmul.f32 $8.000000000e+00, v5;
	v2 =	vld [tilespmem:s1+$0xFFFFFF40];
	[tilespmem:s30+$0xFFFFFF70] =	vst v1  }
0xc0: {  	v1 =	vld [tilespmem:s1+$0xFFFFFF80];
	[tilespmem:s30+$0xFFFFFFB0] =	vst v4;
	v9 =	vmul.f32 $8.000000000e+00, v3  }
0xc1: {  	[tilespmem:s30+$0xFFFFFE30] =	vst v5;
	v6 =	vmul.f32 $8.000000000e+00, v8;
	v3 =	vld [tilespmem:s1+$0xFFFFFFC0]  }
0xc2: {  	v4 =	vld [tilespmem:s1+$0xFFFFFE40];
	v5 =	vmul.f32 $8.000000000e+00, v7;
	[tilespmem:s30+$0x0] =	vst v9;
	s1 =	sadd.s32 $0x200, s1  }
0xc3: {  	[tilespmem:s30+$0xFFFFFE80] =	vst v6;
	v0 =	vmul.f32 $8.000000000e+00, v0  }
0xc4: {  	[tilespmem:s30+$0xFFFFFEC0] =	vst v5;
	v2 =	vmul.f32 $8.000000000e+00, v2  }
0xc5: {  	s29 =	sshll.u32 s26, $0x9;
	[tilespmem:s30+$0xFFFFFF00] =	vst v0;
	v61 =	vmul.f32 $8.000000000e+00, v1  }
.Ltmp7:
0xc6: {  	s1 =	sadd.s32 s29, s7;
	[tilespmem:s30+$0xFFFFFF40] =	vst v2;
	v62 =	vmul.f32 $8.000000000e+00, v3;
	(pc) =	sbr.rel @p1 .LBB2_12-.Ltmp7, $4  }
0xc7: {  	s1 =	sshll.u32 s1, $0x3;
	v63 =	vmul.f32 $8.000000000e+00, v4;
	[tilespmem:s30+$0xFFFFFF80] =	vst v61  }
0xc8: {  	s1 =	sand.u32 $0x1FFFF400, s1;
	[tilespmem:s30+$0xFFFFFFC0] =	vst v62  }
0xc9: {  	s1 =	sadd.s32 s2, s1;
	[tilespmem:s30+$0xFFFFFE40] =	vst v63  }
0xca: {  	[hbm4b:s1+s3] =	stream.linear.scatter [tilespmem:s22], [sflag:$0x2], $0x2000, $0x38;
	[tilespmem:$0x16400] =	vst v63  }
.Ltmp8:
0xcb: {  	(pc) =	sbr.rel .LBB2_13-.Ltmp8, $4  }
0xcc: {  	_ = 	snop  }
0xcd: {  	_ =	swait.ge [sflag:s19], $0x2000  }
0xce: {  	[sflag:s19] =	ssyncset.done $0x0  }
0xcf: {  	[sflag:s19] =	ssyncadd.s32 $0xFFFFE000  }
.LBB2_12:
0xd0: {  	s1 =	sshrl.u32 s28, $0x2  }
.Ltmp9:
0xd1: {  	s1 =	sadd.s32 $0x280, s1;
	(pc) =	sbr.rel @p0 .LBB2_14-.Ltmp9, $4  }
0xd2: {  	[tilespmem:s14], [sflag:$0x1] =	stream.indirect.gather [hbm4b:s4+s12], $0x40, s1, s12, $0xb8;
	[tilespmem:$0x16400] =	vst v63  }
0xd3: {  	_ =	swait.ge [sflag:s19], $0x2000  }
0xd4: {  	[sflag:s19] =	ssyncset.done $0x0  }
0xd5: {  	[sflag:s19] =	ssyncadd.s32 $0xFFFFE000  }
.LBB2_13:
0xd6: {  	_ =	swait.ge [sflag:s21], $0x2000  }
0xd7: {  	[sflag:s21] =	ssyncset.done $0x0  }
0xd8: {  	[sflag:s21] =	ssyncadd.s32 $0xFFFFE000  }
.LBB2_14:
0xd9: {  	s30 =	simm.s32 $0x0  }
0xda: {  	v0 =	vld [tilespmem:s30+$0xA5F0]  }
0xdb: {  	v1 =	vld [tilespmem:s30+$0xA400]  }
0xdc: {  	v2 =	vld [tilespmem:s30+$0xA410]  }
0xdd: {  	v3 =	vld [tilespmem:s30+$0xA420]  }
0xde: {  	v4 =	vld [tilespmem:s30+$0xA430]  }
0xdf: {  	v5 =	vld [tilespmem:s30+$0xA440];
	v0 =	vmul.f32 $8.000000000e+00, v0  }
0xe0: {  	v6 =	vld [tilespmem:s30+$0xA450];
	v1 =	vmul.f32 $8.000000000e+00, v1  }
0xe1: {  	v7 =	vld [tilespmem:s30+$0xA460];
	v2 =	vmul.f32 $8.000000000e+00, v2;
	[tilespmem:s30+$0x125F0] =	vst v0  }
0xe2: {  	[tilespmem:s30+$0x12400] =	vst v1;
	v0 =	vmul.f32 $8.000000000e+00, v3;
	v1 =	vld [tilespmem:s30+$0xA470]  }
0xe3: {  	[tilespmem:s30+$0x12410] =	vst v2;
	v2 =	vmul.f32 $8.000000000e+00, v4;
	v3 =	vld [tilespmem:s30+$0xA480]  }
0xe4: {  	v4 =	vld [tilespmem:s30+$0xA490];
	[tilespmem:s30+$0x12420] =	vst v0;
	v0 =	vmul.f32 $8.000000000e+00, v5  }
0xe5: {  	[tilespmem:s30+$0x12430] =	vst v2;
	v2 =	vmul.f32 $8.000000000e+00, v6;
	v5 =	vld [tilespmem:s30+$0xA4A0]  }
0xe6: {  	v6 =	vld [tilespmem:s30+$0xA4B0];
	[tilespmem:s30+$0x12440] =	vst v0;
	v0 =	vmul.f32 $8.000000000e+00, v7  }
0xe7: {  	[tilespmem:s30+$0x12450] =	vst v2;
	v2 =	vld [tilespmem:s30+$0xA4C0];
	v1 =	vmul.f32 $8.000000000e+00, v1  }
0xe8: {  	[tilespmem:s30+$0x12460] =	vst v0;
	v0 =	vmul.f32 $8.000000000e+00, v3;
	v3 =	vld [tilespmem:s30+$0xA4D0]  }
0xe9: {  	[tilespmem:s30+$0x12470] =	vst v1;
	v1 =	vmul.f32 $8.000000000e+00, v4;
	v4 =	vld [tilespmem:s30+$0xA4E0]  }
0xea: {  	[tilespmem:s30+$0x12480] =	vst v0;
	v0 =	vmul.f32 $8.000000000e+00, v5;
	v5 =	vld [tilespmem:s30+$0xA4F0]  }
0xeb: {  	[tilespmem:s30+$0x12490] =	vst v1;
	v1 =	vmul.f32 $8.000000000e+00, v6;
	v6 =	vld [tilespmem:s30+$0xA500]  }
0xec: {  	[tilespmem:s30+$0x124A0] =	vst v0;
	v0 =	vmul.f32 $8.000000000e+00, v2;
	v2 =	vld [tilespmem:s30+$0xA510]  }
0xed: {  	[tilespmem:s30+$0x124B0] =	vst v1;
	v1 =	vmul.f32 $8.000000000e+00, v3;
	v3 =	vld [tilespmem:s30+$0xA520]  }
0xee: {  	[tilespmem:s30+$0x124C0] =	vst v0;
	v0 =	vmul.f32 $8.000000000e+00, v4;
	v4 =	vld [tilespmem:s30+$0xA530]  }
0xef: {  	[tilespmem:s30+$0x124D0] =	vst v1;
	v1 =	vmul.f32 $8.000000000e+00, v5;
	v5 =	vld [tilespmem:s30+$0xA540]  }
0xf0: {  	[tilespmem:s30+$0x124E0] =	vst v0;
	v0 =	vmul.f32 $8.000000000e+00, v6;
	v6 =	vld [tilespmem:s30+$0xA550]  }
0xf1: {  	[tilespmem:s30+$0x124F0] =	vst v1;
	v1 =	vmul.f32 $8.000000000e+00, v2;
	v2 =	vld [tilespmem:s30+$0xA560]  }
0xf2: {  	v7 =	vld [tilespmem:s30+$0xA570];
	[tilespmem:s30+$0x12500] =	vst v0;
	v0 =	vmul.f32 $8.000000000e+00, v3  }
0xf3: {  	[tilespmem:s30+$0x12510] =	vst v1;
	v1 =	vmul.f32 $8.000000000e+00, v4;
	v4 =	vld [tilespmem:s30+$0xA580]  }
0xf4: {  	v3 =	vld [tilespmem:s30+$0xA590];
	[tilespmem:s30+$0x12520] =	vst v0;
	v5 =	vmul.f32 $8.000000000e+00, v5  }
0xf5: {  	v0 =	vld [tilespmem:s30+$0xA5A0];
	[tilespmem:s30+$0x12530] =	vst v1;
	v6 =	vmul.f32 $8.000000000e+00, v6  }
0xf6: {  	v1 =	vld [tilespmem:s30+$0xA5B0];
	[tilespmem:s30+$0x12540] =	vst v5;
	v5 =	vmul.f32 $8.000000000e+00, v2  }
0xf7: {  	v2 =	vld [tilespmem:s30+$0xA5C0];
	[tilespmem:s30+$0x12550] =	vst v6;
	v6 =	vmul.f32 $8.000000000e+00, v7  }
0xf8: {  	s31 =	simm.s32 $0x0;
	s1 =	simm.s32 $0x800;
	[tilespmem:s30+$0x12560] =	vst v5;
	v5 =	vmul.f32 $8.000000000e+00, v4;
	v4 =	vld [tilespmem:s30+$0xA5D0]  }
.LBB2_15:
0xf9: {  	s0 =	sshra.s32 s1, $0x2;
	s31 =	sadd.s32 $0x8, s31;
	[tilespmem:s30+$0x12570] =	vst v6;
	v3 =	vmul.f32 $8.000000000e+00, v3;
	v6 =	vld [tilespmem:s30+$0xA5E0]  }
0xfa: {  	v7 =	vld [tilespmem:s0+$0xA5F0];
	p2 =	slt.u32 s31, $0x78;
	[tilespmem:s30+$0x12580] =	vst v5;
	v0 =	vmul.f32 $8.000000000e+00, v0  }
0xfb: {  	v5 =	vld [tilespmem:s0+$0xA400];
	[tilespmem:s30+$0x12590] =	vst v3;
	v1 =	vmul.f32 $8.000000000e+00, v1  }
0xfc: {  	v3 =	vld [tilespmem:s0+$0xA410];
	[tilespmem:s30+$0x125A0] =	vst v0;
	v0 =	vmul.f32 $8.000000000e+00, v2  }
0xfd: {  	v2 =	vld [tilespmem:s0+$0xA420];
	[tilespmem:s30+$0x125B0] =	vst v1;
	v1 =	vmul.f32 $8.000000000e+00, v4  }
0xfe: {  	v4 =	vld [tilespmem:s0+$0xA430];
	[tilespmem:s30+$0x125C0] =	vst v0;
	v0 =	vmul.f32 $8.000000000e+00, v6  }
0xff: {  	v6 =	vld [tilespmem:s0+$0xA440];
	v7 =	vmul.f32 $8.000000000e+00, v7;
	[tilespmem:s30+$0x125D0] =	vst v1  }
0x100: {  	v1 =	vmul.f32 $8.000000000e+00, v5;
	v5 =	vld [tilespmem:s0+$0xA450];
	[tilespmem:s30+$0x125E0] =	vst v0;
	s30 =	smov.u32 s0  }
0x101: {  	v0 =	vmul.f32 $8.000000000e+00, v3;
	v3 =	vld [tilespmem:s30+$0xA460];
	[tilespmem:s30+$0x125F0] =	vst v7  }
0x102: {  	[tilespmem:s30+$0x12400] =	vst v1;
	v1 =	vmul.f32 $8.000000000e+00, v2;
	v2 =	vld [tilespmem:s30+$0xA470]  }
0x103: {  	[tilespmem:s30+$0x12410] =	vst v0;
	v0 =	vmul.f32 $8.000000000e+00, v4;
	v4 =	vld [tilespmem:s30+$0xA480]  }
0x104: {  	[tilespmem:s30+$0x12420] =	vst v1;
	v1 =	vmul.f32 $8.000000000e+00, v6;
	v6 =	vld [tilespmem:s30+$0xA490]  }
0x105: {  	[tilespmem:s30+$0x12430] =	vst v0;
	v0 =	vmul.f32 $8.000000000e+00, v5;
	v5 =	vld [tilespmem:s30+$0xA4A0]  }
0x106: {  	[tilespmem:s30+$0x12440] =	vst v1;
	v1 =	vmul.f32 $8.000000000e+00, v3;
	v3 =	vld [tilespmem:s30+$0xA4B0]  }
0x107: {  	[tilespmem:s30+$0x12450] =	vst v0;
	v0 =	vmul.f32 $8.000000000e+00, v2;
	v2 =	vld [tilespmem:s30+$0xA4C0]  }
0x108: {  	[tilespmem:s30+$0x12460] =	vst v1;
	v1 =	vmul.f32 $8.000000000e+00, v4;
	v4 =	vld [tilespmem:s30+$0xA4D0]  }
0x109: {  	[tilespmem:s30+$0x12470] =	vst v0;
	v0 =	vmul.f32 $8.000000000e+00, v6;
	v6 =	vld [tilespmem:s30+$0xA4E0]  }
0x10a: {  	[tilespmem:s30+$0x12480] =	vst v1;
	v1 =	vmul.f32 $8.000000000e+00, v5;
	v5 =	vld [tilespmem:s30+$0xA4F0]  }
0x10b: {  	[tilespmem:s30+$0x12490] =	vst v0;
	v0 =	vmul.f32 $8.000000000e+00, v3;
	v3 =	vld [tilespmem:s30+$0xA500]  }
0x10c: {  	[tilespmem:s30+$0x124A0] =	vst v1;
	v1 =	vmul.f32 $8.000000000e+00, v2;
	v2 =	vld [tilespmem:s30+$0xA510]  }
0x10d: {  	[tilespmem:s30+$0x124B0] =	vst v0;
	v0 =	vmul.f32 $8.000000000e+00, v4;
	v4 =	vld [tilespmem:s30+$0xA520]  }
0x10e: {  	[tilespmem:s30+$0x124C0] =	vst v1;
	v1 =	vmul.f32 $8.000000000e+00, v6;
	v6 =	vld [tilespmem:s30+$0xA530]  }
0x10f: {  	[tilespmem:s30+$0x124D0] =	vst v0;
	v0 =	vmul.f32 $8.000000000e+00, v5;
	v5 =	vld [tilespmem:s30+$0xA540]  }
0x110: {  	[tilespmem:s30+$0x124E0] =	vst v1;
	v1 =	vmul.f32 $8.000000000e+00, v3;
	v7 =	vld [tilespmem:s30+$0xA550]  }
0x111: {  	[tilespmem:s30+$0x124F0] =	vst v0;
	v0 =	vmul.f32 $8.000000000e+00, v2;
	v2 =	vld [tilespmem:s30+$0xA560]  }
0x112: {  	[tilespmem:s30+$0x12500] =	vst v1;
	v1 =	vmul.f32 $8.000000000e+00, v4;
	v4 =	vld [tilespmem:s30+$0xA570]  }
0x113: {  	[tilespmem:s30+$0x12510] =	vst v0;
	v0 =	vmul.f32 $8.000000000e+00, v6;
	v8 =	vld [tilespmem:s30+$0xA580]  }
.Ltmp10:
0x114: {  	[tilespmem:s30+$0x12520] =	vst v1;
	v1 =	vmul.f32 $8.000000000e+00, v5;
	v3 =	vld [tilespmem:s30+$0xA590];
	(pc) =	sbr.rel @p2 .LBB2_15-.Ltmp10, $4  }
0x115: {  	[tilespmem:s30+$0x12530] =	vst v0;
	v5 =	vmul.f32 $8.000000000e+00, v7;
	v0 =	vld [tilespmem:s30+$0xA5A0]  }
0x116: {  	[tilespmem:s30+$0x12540] =	vst v1;
	v7 =	vmul.f32 $8.000000000e+00, v2;
	v1 =	vld [tilespmem:s30+$0xA5B0]  }
0x117: {  	[tilespmem:s30+$0x12550] =	vst v5;
	v6 =	vmul.f32 $8.000000000e+00, v4;
	v2 =	vld [tilespmem:s30+$0xA5C0]  }
0x118: {  	s1 =	sadd.s32 $0x800, s1;
	[tilespmem:s30+$0x12560] =	vst v7;
	v5 =	vmul.f32 $8.000000000e+00, v8;
	v4 =	vld [tilespmem:s30+$0xA5D0]  }
0x119: {  	[tilespmem:s30+$0x12570] =	vst v6;
	v3 =	vmul.f32 $8.000000000e+00, v3;
	v60 =	vld [tilespmem:s30+$0xA5E0]  }
0x11a: {  	[tilespmem:s30+$0x12580] =	vst v5;
	v0 =	vmul.f32 $8.000000000e+00, v0  }
0x11b: {  	[tilespmem:s30+$0x12590] =	vst v3;
	v1 =	vmul.f32 $8.000000000e+00, v1  }
0x11c: {  	[tilespmem:s30+$0x125A0] =	vst v0;
	v61 =	vmul.f32 $8.000000000e+00, v2  }
.Ltmp11:
0x11d: {  	s0 =	sadd.s32 s29, s8;
	[tilespmem:s30+$0x125B0] =	vst v1;
	v62 =	vmul.f32 $8.000000000e+00, v4;
	(pc) =	sbr.rel @p1 .LBB2_18-.Ltmp11, $4  }
0x11e: {  	s0 =	sshll.u32 s0, $0x3;
	[tilespmem:s30+$0x125C0] =	vst v61;
	v63 =	vmul.f32 $8.000000000e+00, v60  }
0x11f: {  	s0 =	sand.u32 $0x1FFFF800, s0;
	[tilespmem:s30+$0x125D0] =	vst v62  }
0x120: {  	s0 =	sadd.s32 s2, s0;
	[tilespmem:s30+$0x125E0] =	vst v63  }
0x121: {  	[hbm4b:s0+s3] =	stream.linear.scatter [tilespmem:s23], [sflag:$0x2], $0x2000, $0x38;
	[tilespmem:$0x16400] =	vst v63  }
.Ltmp12:
0x122: {  	(pc) =	sbr.rel .LBB2_19-.Ltmp12, $4  }
0x123: {  	_ = 	snop  }
0x124: {  	_ =	swait.ge [sflag:s19], $0x2000  }
0x125: {  	[sflag:s19] =	ssyncset.done $0x0  }
0x126: {  	[sflag:s19] =	ssyncadd.s32 $0xFFFFE000  }
.LBB2_18:
0x127: {  	s0 =	sshrl.u32 s28, $0x2  }
.Ltmp13:
0x128: {  	s0 =	sadd.s32 $0x300, s0;
	(pc) =	sbr.rel @p0 .LBB2_20-.Ltmp13, $4  }
0x129: {  	[tilespmem:s16], [sflag:$0x1] =	stream.indirect.gather [hbm4b:s4+s12], $0x40, s0, s12, $0xb8;
	[tilespmem:$0x16400] =	vst v63  }
0x12a: {  	_ =	swait.ge [sflag:s19], $0x2000  }
0x12b: {  	[sflag:s19] =	ssyncset.done $0x0  }
0x12c: {  	[sflag:s19] =	ssyncadd.s32 $0xFFFFE000  }
.LBB2_19:
0x12d: {  	_ =	swait.ge [sflag:s21], $0x2000  }
0x12e: {  	[sflag:s21] =	ssyncset.done $0x0  }
0x12f: {  	[sflag:s21] =	ssyncadd.s32 $0xFFFFE000  }
.LBB2_20:
0x130: {  	s30 =	simm.s32 $0x0  }
0x131: {  	v0 =	vld [tilespmem:s30+$0xC5F0]  }
0x132: {  	v1 =	vld [tilespmem:s30+$0xC400]  }
0x133: {  	v2 =	vld [tilespmem:s30+$0xC410]  }
0x134: {  	v3 =	vld [tilespmem:s30+$0xC420]  }
0x135: {  	v4 =	vld [tilespmem:s30+$0xC430]  }
0x136: {  	v5 =	vld [tilespmem:s30+$0xC440];
	v0 =	vmul.f32 $8.000000000e+00, v0  }
0x137: {  	v6 =	vld [tilespmem:s30+$0xC450];
	v1 =	vmul.f32 $8.000000000e+00, v1  }
0x138: {  	v7 =	vld [tilespmem:s30+$0xC460];
	v2 =	vmul.f32 $8.000000000e+00, v2;
	[tilespmem:s30+$0x145F0] =	vst v0  }
0x139: {  	[tilespmem:s30+$0x14400] =	vst v1;
	v0 =	vmul.f32 $8.000000000e+00, v3;
	v1 =	vld [tilespmem:s30+$0xC470]  }
0x13a: {  	[tilespmem:s30+$0x14410] =	vst v2;
	v2 =	vmul.f32 $8.000000000e+00, v4;
	v3 =	vld [tilespmem:s30+$0xC480]  }
0x13b: {  	v4 =	vld [tilespmem:s30+$0xC490];
	[tilespmem:s30+$0x14420] =	vst v0;
	v0 =	vmul.f32 $8.000000000e+00, v5  }
0x13c: {  	[tilespmem:s30+$0x14430] =	vst v2;
	v2 =	vmul.f32 $8.000000000e+00, v6;
	v5 =	vld [tilespmem:s30+$0xC4A0]  }
0x13d: {  	v6 =	vld [tilespmem:s30+$0xC4B0];
	[tilespmem:s30+$0x14440] =	vst v0;
	v0 =	vmul.f32 $8.000000000e+00, v7  }
0x13e: {  	[tilespmem:s30+$0x14450] =	vst v2;
	v2 =	vld [tilespmem:s30+$0xC4C0];
	v1 =	vmul.f32 $8.000000000e+00, v1  }
0x13f: {  	[tilespmem:s30+$0x14460] =	vst v0;
	v0 =	vmul.f32 $8.000000000e+00, v3;
	v3 =	vld [tilespmem:s30+$0xC4D0]  }
0x140: {  	[tilespmem:s30+$0x14470] =	vst v1;
	v1 =	vmul.f32 $8.000000000e+00, v4;
	v4 =	vld [tilespmem:s30+$0xC4E0]  }
0x141: {  	[tilespmem:s30+$0x14480] =	vst v0;
	v0 =	vmul.f32 $8.000000000e+00, v5;
	v5 =	vld [tilespmem:s30+$0xC4F0]  }
0x142: {  	[tilespmem:s30+$0x14490] =	vst v1;
	v1 =	vmul.f32 $8.000000000e+00, v6;
	v6 =	vld [tilespmem:s30+$0xC500]  }
0x143: {  	[tilespmem:s30+$0x144A0] =	vst v0;
	v0 =	vmul.f32 $8.000000000e+00, v2;
	v2 =	vld [tilespmem:s30+$0xC510]  }
0x144: {  	[tilespmem:s30+$0x144B0] =	vst v1;
	v1 =	vmul.f32 $8.000000000e+00, v3;
	v3 =	vld [tilespmem:s30+$0xC520]  }
0x145: {  	[tilespmem:s30+$0x144C0] =	vst v0;
	v0 =	vmul.f32 $8.000000000e+00, v4;
	v4 =	vld [tilespmem:s30+$0xC530]  }
0x146: {  	[tilespmem:s30+$0x144D0] =	vst v1;
	v1 =	vmul.f32 $8.000000000e+00, v5;
	v5 =	vld [tilespmem:s30+$0xC540]  }
0x147: {  	[tilespmem:s30+$0x144E0] =	vst v0;
	v0 =	vmul.f32 $8.000000000e+00, v6;
	v6 =	vld [tilespmem:s30+$0xC550]  }
0x148: {  	[tilespmem:s30+$0x144F0] =	vst v1;
	v1 =	vmul.f32 $8.000000000e+00, v2;
	v2 =	vld [tilespmem:s30+$0xC560]  }
0x149: {  	v7 =	vld [tilespmem:s30+$0xC570];
	[tilespmem:s30+$0x14500] =	vst v0;
	v0 =	vmul.f32 $8.000000000e+00, v3  }
0x14a: {  	[tilespmem:s30+$0x14510] =	vst v1;
	v1 =	vmul.f32 $8.000000000e+00, v4;
	v4 =	vld [tilespmem:s30+$0xC580]  }
0x14b: {  	v3 =	vld [tilespmem:s30+$0xC590];
	[tilespmem:s30+$0x14520] =	vst v0;
	v5 =	vmul.f32 $8.000000000e+00, v5  }
0x14c: {  	v0 =	vld [tilespmem:s30+$0xC5A0];
	[tilespmem:s30+$0x14530] =	vst v1;
	v6 =	vmul.f32 $8.000000000e+00, v6  }
0x14d: {  	v1 =	vld [tilespmem:s30+$0xC5B0];
	[tilespmem:s30+$0x14540] =	vst v5;
	v5 =	vmul.f32 $8.000000000e+00, v2  }
0x14e: {  	v2 =	vld [tilespmem:s30+$0xC5C0];
	[tilespmem:s30+$0x14550] =	vst v6;
	v6 =	vmul.f32 $8.000000000e+00, v7  }
0x14f: {  	s31 =	simm.s32 $0x0;
	s1 =	simm.s32 $0x800;
	[tilespmem:s30+$0x14560] =	vst v5;
	v5 =	vmul.f32 $8.000000000e+00, v4;
	v4 =	vld [tilespmem:s30+$0xC5D0]  }
.LBB2_21:
0x150: {  	s0 =	sshra.s32 s1, $0x2;
	s31 =	sadd.s32 $0x8, s31;
	[tilespmem:s30+$0x14570] =	vst v6;
	v3 =	vmul.f32 $8.000000000e+00, v3;
	v6 =	vld [tilespmem:s30+$0xC5E0]  }
0x151: {  	v7 =	vld [tilespmem:s0+$0xC5F0];
	p0 =	slt.u32 s31, $0x78;
	[tilespmem:s30+$0x14580] =	vst v5;
	v0 =	vmul.f32 $8.000000000e+00, v0  }
0x152: {  	v5 =	vld [tilespmem:s0+$0xC400];
	[tilespmem:s30+$0x14590] =	vst v3;
	v1 =	vmul.f32 $8.000000000e+00, v1  }
0x153: {  	v3 =	vld [tilespmem:s0+$0xC410];
	[tilespmem:s30+$0x145A0] =	vst v0;
	v0 =	vmul.f32 $8.000000000e+00, v2  }
0x154: {  	v2 =	vld [tilespmem:s0+$0xC420];
	[tilespmem:s30+$0x145B0] =	vst v1;
	v1 =	vmul.f32 $8.000000000e+00, v4  }
0x155: {  	v4 =	vld [tilespmem:s0+$0xC430];
	[tilespmem:s30+$0x145C0] =	vst v0;
	v0 =	vmul.f32 $8.000000000e+00, v6  }
0x156: {  	v6 =	vld [tilespmem:s0+$0xC440];
	v7 =	vmul.f32 $8.000000000e+00, v7;
	[tilespmem:s30+$0x145D0] =	vst v1  }
0x157: {  	v1 =	vmul.f32 $8.000000000e+00, v5;
	v5 =	vld [tilespmem:s0+$0xC450];
	[tilespmem:s30+$0x145E0] =	vst v0;
	s30 =	smov.u32 s0  }
0x158: {  	v0 =	vmul.f32 $8.000000000e+00, v3;
	v3 =	vld [tilespmem:s30+$0xC460];
	[tilespmem:s30+$0x145F0] =	vst v7  }
0x159: {  	[tilespmem:s30+$0x14400] =	vst v1;
	v1 =	vmul.f32 $8.000000000e+00, v2;
	v2 =	vld [tilespmem:s30+$0xC470]  }
0x15a: {  	[tilespmem:s30+$0x14410] =	vst v0;
	v0 =	vmul.f32 $8.000000000e+00, v4;
	v4 =	vld [tilespmem:s30+$0xC480]  }
0x15b: {  	[tilespmem:s30+$0x14420] =	vst v1;
	v1 =	vmul.f32 $8.000000000e+00, v6;
	v6 =	vld [tilespmem:s30+$0xC490]  }
0x15c: {  	[tilespmem:s30+$0x14430] =	vst v0;
	v0 =	vmul.f32 $8.000000000e+00, v5;
	v5 =	vld [tilespmem:s30+$0xC4A0]  }
0x15d: {  	[tilespmem:s30+$0x14440] =	vst v1;
	v1 =	vmul.f32 $8.000000000e+00, v3;
	v3 =	vld [tilespmem:s30+$0xC4B0]  }
0x15e: {  	[tilespmem:s30+$0x14450] =	vst v0;
	v0 =	vmul.f32 $8.000000000e+00, v2;
	v2 =	vld [tilespmem:s30+$0xC4C0]  }
0x15f: {  	[tilespmem:s30+$0x14460] =	vst v1;
	v1 =	vmul.f32 $8.000000000e+00, v4;
	v4 =	vld [tilespmem:s30+$0xC4D0]  }
0x160: {  	[tilespmem:s30+$0x14470] =	vst v0;
	v0 =	vmul.f32 $8.000000000e+00, v6;
	v6 =	vld [tilespmem:s30+$0xC4E0]  }
0x161: {  	[tilespmem:s30+$0x14480] =	vst v1;
	v1 =	vmul.f32 $8.000000000e+00, v5;
	v5 =	vld [tilespmem:s30+$0xC4F0]  }
0x162: {  	[tilespmem:s30+$0x14490] =	vst v0;
	v0 =	vmul.f32 $8.000000000e+00, v3;
	v3 =	vld [tilespmem:s30+$0xC500]  }
0x163: {  	[tilespmem:s30+$0x144A0] =	vst v1;
	v1 =	vmul.f32 $8.000000000e+00, v2;
	v2 =	vld [tilespmem:s30+$0xC510]  }
0x164: {  	[tilespmem:s30+$0x144B0] =	vst v0;
	v0 =	vmul.f32 $8.000000000e+00, v4;
	v4 =	vld [tilespmem:s30+$0xC520]  }
0x165: {  	[tilespmem:s30+$0x144C0] =	vst v1;
	v1 =	vmul.f32 $8.000000000e+00, v6;
	v6 =	vld [tilespmem:s30+$0xC530]  }
0x166: {  	[tilespmem:s30+$0x144D0] =	vst v0;
	v0 =	vmul.f32 $8.000000000e+00, v5;
	v5 =	vld [tilespmem:s30+$0xC540]  }
0x167: {  	[tilespmem:s30+$0x144E0] =	vst v1;
	v1 =	vmul.f32 $8.000000000e+00, v3;
	v7 =	vld [tilespmem:s30+$0xC550]  }
0x168: {  	[tilespmem:s30+$0x144F0] =	vst v0;
	v0 =	vmul.f32 $8.000000000e+00, v2;
	v2 =	vld [tilespmem:s30+$0xC560]  }
0x169: {  	[tilespmem:s30+$0x14500] =	vst v1;
	v1 =	vmul.f32 $8.000000000e+00, v4;
	v4 =	vld [tilespmem:s30+$0xC570]  }
0x16a: {  	[tilespmem:s30+$0x14510] =	vst v0;
	v0 =	vmul.f32 $8.000000000e+00, v6;
	v8 =	vld [tilespmem:s30+$0xC580]  }
.Ltmp14:
0x16b: {  	[tilespmem:s30+$0x14520] =	vst v1;
	v1 =	vmul.f32 $8.000000000e+00, v5;
	v3 =	vld [tilespmem:s30+$0xC590];
	(pc) =	sbr.rel @p0 .LBB2_21-.Ltmp14, $4  }
0x16c: {  	[tilespmem:s30+$0x14530] =	vst v0;
	v5 =	vmul.f32 $8.000000000e+00, v7;
	v0 =	vld [tilespmem:s30+$0xC5A0]  }
0x16d: {  	[tilespmem:s30+$0x14540] =	vst v1;
	v7 =	vmul.f32 $8.000000000e+00, v2;
	v1 =	vld [tilespmem:s30+$0xC5B0]  }
0x16e: {  	[tilespmem:s30+$0x14550] =	vst v5;
	v6 =	vmul.f32 $8.000000000e+00, v4;
	v2 =	vld [tilespmem:s30+$0xC5C0]  }
0x16f: {  	s1 =	sadd.s32 $0x800, s1;
	[tilespmem:s30+$0x14560] =	vst v7;
	v5 =	vmul.f32 $8.000000000e+00, v8;
	v4 =	vld [tilespmem:s30+$0xC5D0]  }
0x170: {  	[tilespmem:s30+$0x14570] =	vst v6;
	v3 =	vmul.f32 $8.000000000e+00, v3;
	v60 =	vld [tilespmem:s30+$0xC5E0]  }
0x171: {  	[tilespmem:s30+$0x14580] =	vst v5;
	v0 =	vmul.f32 $8.000000000e+00, v0  }
0x172: {  	[tilespmem:s30+$0x14590] =	vst v3;
	v1 =	vmul.f32 $8.000000000e+00, v1  }
0x173: {  	p0 =	seq.s32 s26, $0x31;
	[tilespmem:s30+$0x145A0] =	vst v0;
	v61 =	vmul.f32 $8.000000000e+00, v2  }
.Ltmp15:
0x174: {  	s0 =	sadd.s32 s29, s9;
	[tilespmem:s30+$0x145B0] =	vst v1;
	v62 =	vmul.f32 $8.000000000e+00, v4;
	(pc) =	sbr.rel @p0 .LBB2_24-.Ltmp15, $4  }
0x175: {  	s0 =	sshll.u32 s0, $0x3;
	[tilespmem:s30+$0x145C0] =	vst v61;
	v63 =	vmul.f32 $8.000000000e+00, v60  }
0x176: {  	s0 =	sand.u32 $0x1FFFFC00, s0;
	[tilespmem:s30+$0x145D0] =	vst v62  }
0x177: {  	s0 =	sadd.s32 s2, s0;
	[tilespmem:s30+$0x145E0] =	vst v63  }
0x178: {  	[hbm4b:s0+s3] =	stream.linear.scatter [tilespmem:s24], [sflag:$0x2], $0x2000, $0x38;
	[tilespmem:$0x16400] =	vst v63  }
.Ltmp16:
0x179: {  	(pc) =	sbr.rel .LBB2_2-.Ltmp16, $4  }
0x17a: {  	_ = 	snop  }
0x17b: {  	s0 =	sshrl.u32 s28, $0x2  }
0x17c: {  	s26 =	sadd.s32 $0x1, s26;
	s0 =	sadd.s32 $0x380, s0  }
0x17d: {  	[tilespmem:s18], [sflag:$0x1] =	stream.indirect.gather [hbm4b:s4+s12], $0x40, s0, s12, $0xb8;
	[tilespmem:$0x16400] =	vst v63  }
.LBB2_25:
0x17e: {  	_ =	sfence.sel $0x180000  }
0x17f: {  	[bflag:$0x0] =	sbarrier.arrive $0xFFFF  }
0x180: {  	_ =	strace $0x90000047  }
0x181: {  	s0 =	stileid.u32;
	[bflag:$0x2] =	sbarrier.arrive $0xFFFF  }
0x182: {  	p0 =	sne.s32 s0, $0x0;
	s0 =	rddreg [dreg:$0x2]  }
0x183: {  	s0 =	sadd.s32 @!p0 $0x100000, s0  }
0x184: {  	[sflag:s0] =	ssyncadd.tile.s32 @!p0 $0x1;
	_ =	shalt  }
.Lfunc_end2:
_tile_overlayer_lowered:
.L_overlay_start_2:
0x185: {  	(tag) =	ssettag $0x2  }
0x186: {  	s0 =	rddreg [dreg:$0x0];
	s2 =	stileid.u32  }
0x187: {  	s1 =	rddreg [dreg:$0x1];
	p0 =	sne.s32 s2, $0x0  }
0x188: {  	s3 =	rddreg [dreg:$0x2];
	[bflag:$0x3] =	sbarrier.arrive $0xFFFF;
	s2 =	simm.s32 @!p0 $0x1C03  }
0x189: {  	[timem:s3], [sflag:s2] =	dma.local @!p0 [hbm:s0], s1  }
0x18a: {  	s0 =	simm.s32 @!p0 $0x3  }
0x18b: {  	_ =	swait.ge @!p0 [sflag:s0], s1  }
0x18c: {  	s1 =	ssub.s32 @!p0 $0x0, s1;
	[sflag:s0] =	ssyncset.done @!p0 $0x0  }
0x18d: {  	[sflag:s0] =	ssyncadd.s32 @!p0 s1  }
0x18e: {  	[bflag:$0x3] =	sbarrier.arrive $0xFFFF  }
0x18f: {  	_ =	shalt  }

// kernel: sparse-core-data-format-call.cloned.1.call-start
scs
called_computation_lowered:
.L_overlay_start_0:
0x0: {  	s2 =	sld [smem:$0x3FD9]  }
0x1: {  	s3 =	sld [smem:$0x3FFE];
	_ =	sdelay $0x1  }
0x2: {  	s1 =	srdreg.scid  }
0x3: {  	s0 =	sand.u32 $0x1, s1  }
0x4: {  	s18 =	sshll.u32 s0, $0xA;
	s2 =	sadd.s32 s3, s2  }
0x5: {  	s2 =	sadd.s32 s2, s18  }
0x6: {  	[smem:$0x3FC6] =	sst s2  }
0x7: {  	_ = 	snop  }
0x8: {  	s2 =	sld [smem:$0x3FD0];
	(tm) =	ssettm $0x1  }
0x9: {  	s19 =	sld [smem:$0x3FFB];
	_ =	sdelay $0x3  }
0xa: {  	_ =	strace s19  }
0xb: {  	s3 =	sld [smem:$0x3FFC];
	_ =	sdelay $0x3  }
0xc: {  	_ =	strace s3  }
0xd: {  	s3 =	sld [smem:$0x3FFD];
	_ =	sdelay $0x3  }
0xe: {  	_ =	strace s3  }
0xf: {  	_ =	strace $0x8FFFFFFF  }
0x10: {  	s20 =	sld [smem:$0x3FDB];
	_ =	sdelay $0x1  }
0x11: {  	s4 =	simm.s32 $_scs_section_size  }
0x12: {  	s5 =	simm.s32 $_size__tile_overlayer_lowered;
	s6 =	simm.s32 $_tile_overlayer_lowered  }
0x13: {  	s23 =	simm.s32 $0x1BFF;
	s22 =	sshll.u32 s6, $0x1;
	s3 =	sadd.s32 s4, s20  }
0x14: {  	s7 =	simm.s32 $0x0;
	s21 =	sshll.u32 s5, $0x1;
	s5 =	sadd.s32 s22, s3  }
0x15: {  	[timem:s7], [sflag:s23] =	dma.local [hbm:s5], s21  }
0x16: {  	_ =	swait.ge [sflag:s23], s21  }
0x17: {  	s4 =	ssub.s32 $0x0, s21;
	[sflag:s23] =	ssyncset.done $0x0  }
0x18: {  	[sflag:s23] =	ssyncadd.s32 s4;
	_ =	sdelay $0x1  }
0x19: {  	s24 =	simm.s32 $0x1B8B  }
0x1a: {  	_ =	swait.ge [sflag:s24], $0x1  }
0x1b: {  	[sflag:s24] =	ssyncset.done $0x0  }
0x1c: {  	s26 =	simm.s32 $0x1B8E;
	s25 =	sld [smem:$0x3FFE];
	[sflag:s24] =	ssyncadd.s32 $0xFFFFFFFF  }
0x1d: {  	s27 =	simm.s32 $execute0_lowered;
	[smem:$0x3FD2] =	sst s26  }
0x1e: {  	s5 =	sshll.u32 s27, $0x1;
	_ =	strace $0x80000049;
	[dreg:$0x1] =	wrdreg $0xFFFFFFFF  }
0x1f: {  	s28 =	simm.s32 $_size_execute0_lowered;
	s3 =	sadd.s32 s3, s5;
	[dreg:$0x0] =	wrdreg $0x0  }
0x20: {  	s5 =	sshll.u32 s28, $0x1;
	[dreg:$0x2] =	wrdreg s3  }
0x21: {  	[dreg:$0x3] =	wrdreg s5  }
0x22: {  	[dreg:$0x4] =	wrdreg $0xC0  }
0x23: {  	_ =	task [dreg:s7], $0x5FFFF  }
0x24: {  	[dreg:$0x1] =	wrdreg $0xFFFFFFFF  }
0x25: {  	[dreg:$0x0] =	wrdreg $0x60  }
0x26: {  	[dreg:$0x2] =	wrdreg s25  }
0x27: {  	[dreg:$0x3] =	wrdreg s2  }
0x28: {  	[dreg:$0x4] =	wrdreg $0x9  }
0x29: {  	_ =	task.clear_ibuf [dreg:s7], $0x5FFFF;
	_ =	strace $0x90000049  }
0x2a: {  	s29 =	simm.s32 $0x9;
	_ =	strace $0x8000004B  }
0x2b: {  	_ =	swait.ge [sflag:s29], $0x1  }
0x2c: {  	[sflag:s29] =	ssyncadd.s32 $0xFFFFFFFF  }
0x2d: {  	_ =	strace $0x9000004B  }
0x2e: {  	_ =	sfence  }
0x2f: {  	s30 =	sld [smem:$0x0];
	_ =	sdelay $0x2  }
0x30: {  	s31 =	sshll.u32 s1, $0xD;
	s1 =	sshrl.u32 s1, $0x2  }
0x31: {  	s3 =	sand.u32 $0x4000, s31;
	s1 =	sadd.s32 s1, s30  }
0x32: {  	s0 =	sor.u32 s3, s0;
	s1 =	sshll.u32 s1, $0x11  }
0x33: {  	s0 =	sor.u32 s1, s0  }
0x34: {  	s0 =	sadd.s32 $0x8F2B, s0  }
0x35: {  	[sflag:s0] =	ssyncadd.remote.s32 $0x1  }
0x36: {  	_ =	sfence.sel $0xFFFF  }
0x37: {  	[dreg:$0x0] =	wrdreg $0xFFFFFFFF;
	(pc) =	sbr.abs _section_cstart, $3  }
0x38: {  	[dreg:$0x1] =	wrdreg $0xFFFFFFFF  }
0x39: {  	_ =	task.clear_ibuf [dreg:s7], $0x2FFFF;
	_ =	strace $0x9FFFFFFF  }
0x3a: {  	(tm) =	ssettm $0x7FFFFFFF  }
0x3b: {  	_ =	shalt  }
tec
execute0_lowered:
.L_overlay_start_1:
0x0: {  	(tag) =	ssettag $0x1  }
0x1: {  	s0 =	srdreg.scid  }
0x2: {  	s1 =	sshll.u32 s0, $0x4  }
0x3: {  	s0 =	stileid.u32;
	s1 =	sand.u32 $0x10, s1  }
0x4: {  	s1 =	sor.u32 s0, s1  }
0x5: {  	s6 =	rddreg [dreg:$0x0];
	s4 =	simm.s32 $0x1;
	s2 =	sshll.u32 s1, $0x7  }
0x6: {  	s7 =	simm.s32 $0x2;
	s12 =	simm.s32 $0x0;
	s1 =	ssub.s32 $0x1000, s2  }
0x7: {  	s8 =	simm.s32 $0x8000;
	s13 =	simm.s32 $0x0;
	s3 =	sand.u32 $0xF80, s1  }
0x8: {  	s9 =	simm.s32 $0x0;
	s5 =	sshrl.u32 s1, $0xC;
	p0 =	sne.s32 s3, $0x0  }
.Ltmp0:
0x9: {  	s1 =	rddreg [dreg:$0x2];
	s4 =	simm.s32 @!p0 $0x0;
	(pc) =	sbr.rel .LBB1_1-.Ltmp0, $4  }
0xa: {  	s11 =	simm.s32 $0x0;
	s3 =	rddreg [dreg:$0x1];
	s5 =	sadd.s32 s4, s5  }
0xb: {  	_ =	strace $0x8000004A;
	s4 =	simm.s32 $0x1;
	s5 =	smul.u32 $0xC8, s5  }
0xc: {  	s6 =	sadd.s32 $0xA00, s6;
	s10 =	smov.u32 s2;
	[sflag:s4] =	ssyncpa.u1 $0x0  }
0xd: {  	p0 =	por $0x0, $0x0;
	[sflag:s7] =	ssyncpa.u1 $0x0;
	s7 =	sor.u32 $0x1, s5  }
.LBB1_4:
0xe: {  	s16 =	sshll.u32 s13, $0x3;
	s17 =	sand.u32 $0x78, s13  }
0xf: {  	s30 =	sand.u32 $0x7E00, s13;
	s12 =	sshll.u32 s12, $0xF;
	s16 =	sand.u32 $0xC00, s16  }
0x10: {  	[tilespmem:s15+$0x810 ss:$0x81] =	vst.msk $0xffff, v2;
	s31 =	sand.u32 $0x7, s13;
	s16 =	sor.u32 s17, s16;
	s17 =	sadd.s32 s3, s30  }
0x11: {  	[tilespmem:s15+$0x1020 ss:$0x81] =	vst.msk $0xffff, v0;
	s13 =	sshll.u32 s31, $0x12;
	s12 =	sadd.s32 s12, s17;
	s16 =	sshrl.u32 s16, $0x3  }
0x12: {  	[tilespmem:s15+$0x0 ss:$0x81] =	vst.msk $0xffff, v1;
	s13 =	sor.u32 $0x400, s13;
	s12 =	sadd.s32 s16, s12  }
0x13: {  	[hbm4b:s12+s13] =	stream.strided.scatter [tilespmem:s14], [sflag:$0x2], $0x2000, s8, s13, $0x20;
	[tilespmem:$0x8080] =	vst v63  }
.LBB1_5:
0x14: {  	s14 =	sadd.s32 $0x1, s9  }
0x15: {  	s12 =	sadd.s32 $0x1000, s10;
	s16 =	smov.u32 s10;
	p2 =	sgt.s32 s14, $0xC7  }
0x16: {  	s16 =	smov.u32 @p2 s12  }
0x17: {  	s14 =	simm.s32 @p2 $0x0;
	p2 =	sgt.s32 s16, $0xFFF  }
0x18: {  	s16 =	smov.u32 @p2 s2;
	p2 =	sne.s32 s11, s7  }
.Ltmp1:
0x19: {  	p1 =	slt.u32 s11, $0x2;
	(pc) =	sbr.rel @!p2 .LBB1_6-.Ltmp1, $4  }
0x1a: {  	s15 =	simm.s32 @!p1 $0x2  }
0x1b: {  	s13 =	smov.u32 s10;
	p0 =	por !p0, !p0;
	_ =	swait.ge @!p1 [sflag:s15], $0x2000  }
0x1c: {  	s12 =	smov.u32 s9;
	[sflag:s15] =	ssyncset.done @!p1 $0x0;
	s9 =	smov.u32 s14  }
0x1d: {  	s11 =	sadd.s32 $0x1, s11;
	[sflag:s15] =	ssyncadd.s32 @!p1 $0xFFFFE000;
	s10 =	smov.u32 s16  }
.LBB1_1:
0x1e: {  	p1 =	sge.u32 s11, s5  }
0x1f: {  	s14 =	sand.u32 @!p1 $0x1FFFFFF, s9  }
0x20: {  	s15 =	smulhi.u32 @!p1 $0x147AE15, s14;
	_ =	sdelay $0x1  }
0x21: {  	s15 =	smul.u32 @!p1 $0xC8, s15  }
0x22: {  	s16 =	sxor.u32 @!p1 $0xFFFFFFFF, s11;
	s17 =	smul.u32 @!p1 $0xC80, s10  }
0x23: {  	s31 =	sadd.s32 $0xFFFFFFFF, s11;
	s16 =	sshll.u32 @!p1 s16, $0xD;
	s14 =	ssub.s32 @!p1 s14, s15  }
0x24: {  	s15 =	sand.u32 @!p1 $0x2000, s16;
	s16 =	sadd.s32 @!p1 s6, s17;
	s14 =	sshll.u32 @!p1 s14, $0x4  }
0x25: {  	s17 =	simm.s32 @!p1 $0x6400;
	s14 =	sadd.s32 @!p1 s14, s16;
	s16 =	simm.s32 @!p1 $0x40  }
0x26: {  	[tilespmem:s15], [sflag:$0x1] =	stream.strided.gather @!p1 [hbm4b:s14+s16], $0x2000, s17, s16, $0x38;
	[tilespmem:$0x8080] =	vst v63  }
0x27: {  	p1 =	sge.u32 s31, s5  }
.Ltmp2:
0x28: {  	_ = 	snop;
	(pc) =	sbr.rel @p1 .LBB1_5-.Ltmp2, $1  }
0x29: {  	_ =	sdelay $0x3  }
0x2a: {  	s14 =	simm.s32 $0x1  }
0x2b: {  	_ =	swait.ge [sflag:s4], $0x2000;
	s14 =	simm.s32 @!p0 $0x0  }
0x2c: {  	[sflag:s4] =	ssyncset.done $0x0;
	s15 =	sshll.u32 s14, $0xD  }
0x2d: {  	[sflag:s4] =	ssyncadd.s32 $0xFFFFE000;
	s18 =	sor.u32 $0x20, s15  }
0x2e: {  	s14 =	smul.u32 $0x8100, s14;
	v3 =	vld [tilespmem:s18+$0x10]  }
0x2f: {  	s30 =	sand.u32 $0x1, s11;
	v2 =	vld [tilespmem:s18+$0xFFFFFFF0]  }
0x30: {  	s15 =	smul.u32 $0x8100, s30;
	s14 =	sshrl.u32 s14, $0x2;
	v0 =	vld [tilespmem:s18+$0x0]  }
0x31: {  	v1 =	vld [tilespmem:s18+$0xFFFFFFE0];
	s16 =	sor.u32 $0x4000, s14  }
0x32: {  	s31 =	sshrl.u32 s15, $0x2;
	s15 =	sadd.s32 $0x0, s16  }
0x33: {  	s17 =	simm.s32 $0x4;
	s18 =	sadd.s32 $0x40, s18;
	s14 =	sor.u32 $0x4000, s31;
	[tilespmem:s15+$0x1830 ss:$0x81] =	vst.msk $0xffff, v3  }
.LBB1_3:
0x34: {  	v3 =	vld [tilespmem:s18+$0x10];
	p1 =	sne.s32 s17, $0x1FC;
	[tilespmem:s15+$0x810 ss:$0x81] =	vst.msk $0xffff, v2;
	s19 =	smov.u32 s17;
	s17 =	sadd.s32 $0x4, s17  }
.Ltmp3:
0x35: {  	v2 =	vld [tilespmem:s18+$0xFFFFFFF0];
	[tilespmem:s15+$0x1020 ss:$0x81] =	vst.msk $0xffff, v0;
	(pc) =	sbr.rel @p1 .LBB1_3-.Ltmp3, $4  }
0x36: {  	v0 =	vld [tilespmem:s18+$0x0];
	[tilespmem:s15+$0x0 ss:$0x81] =	vst.msk $0xffff, v1  }
0x37: {  	s15 =	sshra.s32 s19, $0x2;
	v1 =	vld [tilespmem:s18+$0xFFFFFFE0]  }
0x38: {  	s15 =	sadd.s32 s15, s16  }
0x39: {  	s18 =	sadd.s32 $0x40, s18;
	[tilespmem:s15+$0x1830 ss:$0x81] =	vst.msk $0xffff, v3  }
.Ltmp4:
0x3a: {  	_ = 	snop;
	(pc) =	sbr.rel .LBB1_4-.Ltmp4, $1  }
0x3b: {  	_ =	sdelay $0x3  }
.LBB1_6:
0x3c: {  	_ =	sfence.sel $0x180000  }
0x3d: {  	s2 =	simm.s32 $0x1;
	[bflag:$0x0] =	sbarrier.arrive $0xFFFF  }
0x3e: {  	s31 =	simm.s32 $0x2;
	[sflag:s2] =	ssyncpa.u1 $0x1  }
0x3f: {  	[sflag:s31] =	ssyncpa.u1 $0x1  }
0x40: {  	p0 =	sne.s32 s0, $0x0;
	_ =	strace $0x9000004A  }
0x41: {  	s0 =	sadd.s32 @!p0 $0x100000, s1;
	[bflag:$0x2] =	sbarrier.arrive $0xFFFF  }
0x42: {  	[sflag:s0] =	ssyncadd.tile.s32 @!p0 $0x1;
	_ =	shalt  }
.Lfunc_end1:
_tile_overlayer_lowered:
.L_overlay_start_2:
0x43: {  	(tag) =	ssettag $0x2  }
0x44: {  	s0 =	rddreg [dreg:$0x0];
	s2 =	stileid.u32  }
0x45: {  	s1 =	rddreg [dreg:$0x1];
	p0 =	sne.s32 s2, $0x0  }
0x46: {  	s3 =	rddreg [dreg:$0x2];
	[bflag:$0x3] =	sbarrier.arrive $0xFFFF;
	s2 =	simm.s32 @!p0 $0x1C01  }
0x47: {  	[timem:s3], [sflag:s2] =	dma.local @!p0 [hbm:s0], s1  }
0x48: {  	s0 =	simm.s32 @!p0 $0x1  }
0x49: {  	_ =	swait.ge @!p0 [sflag:s0], s1  }
0x4a: {  	s1 =	ssub.s32 @!p0 $0x0, s1;
	[sflag:s0] =	ssyncset.done @!p0 $0x0  }
0x4b: {  	[sflag:s0] =	ssyncadd.s32 @!p0 s1  }
0x4c: {  	[bflag:$0x3] =	sbarrier.arrive $0xFFFF  }
0x4d: {  	_ =	shalt  }

</sc_bundles>
